<compile_context>
chip_gen: v7x
topology: tpu7x:2x2x1
jax: 0.10.2.dev20260603
libtpu: 0.0.44.dev20260713+nightly
codegen_flags: <defaults>
</compile_context>

<pallas_src>
import jax
import jax.numpy as jnp
from jax import lax
from jax.experimental import pallas as pl
from jax.experimental.pallas import tpu as pltpu
from jax.experimental.pallas import tpu_sc as plsc

NUM_EMB = 1000000
DIM = 32
BATCH = 16384
HIST = 50
NC = 2
NS = 16

CHUNK = 2048
CPH = BATCH // CHUNK
NCH = HIST * CPH
CPT = NCH // NS
IDX_RES = CPT * CHUNK
DPC = DIM // NC
NB = 5

WMAIN = 999424
WTAIL = NUM_EMB - WMAIN
SSEG = WMAIN // NS
RCOL = WMAIN // 2


def _retile_body(src, dst, vbuf, sem):
    def band(b, carry):
        b0 = pl.multiple_of(b * 8, 8)
        for cc in range(2):
            c0 = cc * RCOL
            pltpu.sync_copy(src.at[pl.ds(b0, 8), pl.ds(c0, RCOL)], vbuf)
            for r in range(8):
                dst0 = (b * 8 + r) * WMAIN + c0
                pltpu.sync_copy(vbuf.at[r], dst.at[pl.ds(dst0, RCOL)])
        return carry

    lax.fori_loop(0, DIM // 8, band, 0)


def _retile(wTv):
    return pl.pallas_call(
        _retile_body,
        in_specs=[pl.BlockSpec(memory_space=pltpu.MemorySpace.HBM)],
        out_specs=pl.BlockSpec(memory_space=pltpu.MemorySpace.HBM),
        out_shape=jax.ShapeDtypeStruct((DIM * WMAIN,), jnp.float32),
        scratch_shapes=[
            pltpu.VMEM((8, RCOL), jnp.float32),
            pltpu.SemaphoreType.DMA,
        ],
    )(wTv)


def _emb_body(idxT, wmain, wtail, outT, idx_all, row_sh, pbuf, gsem, wsem):
    cid = lax.axis_index("c")
    sid = lax.axis_index("s")

    def load_idx(j, carry):
        c = sid * CPT + j
        h = c // CPH
        b0 = (c % CPH) * CHUNK
        pltpu.sync_copy(idxT.at[h, pl.ds(b0, CHUNK)],
                        idx_all.at[pl.ds(j * CHUNK, CHUNK)])
        return carry

    lax.fori_loop(0, CPT, load_idx, 0)

    def per_d(dd, carry):
        d = cid * DPC + dd
        plsc.subcore_barrier()
        pltpu.sync_copy(wmain.at[d, pl.ds(sid * SSEG, SSEG)],
                        row_sh.at[pl.ds(sid * SSEG, SSEG)])

        @pl.when(sid == 0)
        def _():
            pltpu.sync_copy(wtail.at[d], row_sh.at[pl.ds(WMAIN, WTAIL)])

        plsc.subcore_barrier()

        def grp(g, carry2):
            def fire_g(j, carry3):
                jj = g * NB + j
                pltpu.async_copy(
                    row_sh.at[idx_all.at[pl.ds(jj * CHUNK, CHUNK)]],
                    pbuf.at[pl.ds(j * CHUNK, CHUNK)], gsem)
                return carry3

            lax.fori_loop(0, NB, fire_g, 0)

            def drain_g(j, carry3):
                pltpu.make_async_copy(wmain.at[0, pl.ds(0, CHUNK)],
                                      pbuf.at[pl.ds(j * CHUNK, CHUNK)],
                                      gsem).wait()
                return carry3

            lax.fori_loop(0, NB, drain_g, 0)

            def fire_w(j, carry3):
                c = sid * CPT + g * NB + j
                h = c // CPH
                b0 = (c % CPH) * CHUNK
                pltpu.async_copy(pbuf.at[pl.ds(j * CHUNK, CHUNK)],
                                 outT.at[h, d, pl.ds(b0, CHUNK)], wsem)
                return carry3

            lax.fori_loop(0, NB, fire_w, 0)

            def drain_w(j, carry3):
                pltpu.make_async_copy(pbuf.at[pl.ds(j * CHUNK, CHUNK)],
                                      outT.at[0, 0, pl.ds(0, CHUNK)],
                                      wsem).wait()
                return carry3

            lax.fori_loop(0, NB, drain_w, 0)
            return carry2

        lax.fori_loop(0, CPT // NB, grp, 0)
        return carry

    lax.fori_loop(0, DPC, per_d, 0)


def _embed(idxT, wmain, wtail):
    mesh = plsc.VectorSubcoreMesh(core_axis_name="c", subcore_axis_name="s")
    return pl.kernel(
        _emb_body,
        mesh=mesh,
        out_type=jax.ShapeDtypeStruct((HIST, DIM, BATCH), jnp.float32),
        scratch_types=[
            pltpu.VMEM((IDX_RES,), jnp.int32),
            pltpu.VMEM_SHARED((NUM_EMB,), jnp.float32),
            pltpu.VMEM((NB * CHUNK,), jnp.float32),
            pltpu.SemaphoreType.DMA,
            pltpu.SemaphoreType.DMA,
        ],
        compiler_params=pltpu.CompilerParams(use_tc_tiling_on_sc=False),
    )(idxT, wmain, wtail)


def kernel(input_, weight):
    idxT = input_.T.astype(jnp.int32)
    wmain = _retile(weight.T).reshape(DIM, WMAIN)
    wtail = weight[WMAIN:].T
    outT = _embed(idxT, wmain, wtail)
    return jnp.transpose(outT, (2, 0, 1))

# --- scband reference (transcript-rebuilt; emitter-appended) ---
"""Pipeline reference for scband-parallel-embedding-996432413334 (READ-ONLY COPY).

The authoritative reference and input builder live on the scoring server;
editing this copy changes nothing except your own understanding.
"""

import jax, jax.numpy as jnp
import numpy as np

NUM_EMBEDDINGS = 1000000
EMBEDDING_DIM = 32
BATCH = 16384
HIST = 50

def setup_inputs(seed: int = 0) -> dict:
    key = jax.random.key(seed)
    k1, k2 = jax.random.split(key)
    input_ = jax.random.randint(k1, (BATCH, HIST), 0, NUM_EMBEDDINGS, dtype=jnp.int64 if jax.config.jax_enable_x64 else jnp.int32)
    # xavier_normal_ on (num_embeddings, embedding_dim): std = sqrt(2/(fan_in+fan_out))
    std = float(np.sqrt(2.0 / (NUM_EMBEDDINGS + EMBEDDING_DIM)))
    weight = jax.random.normal(k2, (NUM_EMBEDDINGS, EMBEDDING_DIM), dtype=jnp.float32) * std
    return {"input_": input_, "weight": weight}

def reference(input_, weight):
    # F.embedding with padding_idx=None, max_norm=None, sparse=False -> plain gather
    return jnp.take(weight, input_, axis=0)

if __name__ == "__main__":
    import jax
    _d = setup_inputs()
    print(jax.jit(kernel)(*tuple(_d.values())))

</pallas_src>

<mosaic_0001>
#map = affine_map<(d0, d1) -> (0, 0)>
#map1 = affine_map<(d0, d1) -> (0, 0, 0)>
module attributes {stable_mosaic.version = 14 : i64} {
  func.func @_emb_body(%arg0: i32, %arg1: i32, %arg2: memref<50x16384xi32, #tpu.memory_space<hbm>>, %arg3: memref<32x999424xf32, #tpu.memory_space<hbm>>, %arg4: memref<32x576xf32, #tpu.memory_space<hbm>>, %arg5: memref<50x32x16384xf32, #tpu.memory_space<hbm>>, %arg6: memref<51200xi32, #tpu.memory_space<vmem>>, %arg7: memref<1000000xf32, #tpu.memory_space<vmem_shared>>, %arg8: memref<10240xf32, #tpu.memory_space<vmem>>, %arg9: memref<!tpu.dma_semaphore, #tpu.memory_space<semaphore_mem>>, %arg10: memref<!tpu.dma_semaphore, #tpu.memory_space<semaphore_mem>>) attributes {dimension_semantics = [#tpu.dimension_semantics<core_parallel>, #tpu.dimension_semantics<subcore_parallel>], iteration_bounds = array<i64: 2, 16>, scalar_prefetch = 0 : i64, scratch_operands = 5 : i64, tpu.core_type = #tpu.core_type<sc_vector_subcore>, window_params = [{transform_indices = #map}, {transform_indices = #map}, {transform_indices = #map}, {transform_indices = #map1}]} {
    %scan3A = arith.constant 0 : i32
    %scan3A_0 = arith.constant 0 : i32
    %scan3A_1 = arith.constant 25 : i32
    %scan3A_2 = arith.addi %scan3A_0, %scan3A_1 : i32
    %scan3A_3 = arith.constant 1 : i32
    scf.for %scan3A_11 = %scan3A_0 to %scan3A_2 step %scan3A_3  : i32 {
      %mul3A = arith.constant 25 : i32
      %mul3A_12 = arith.muli %arg1, %mul3A : i32
      %add3A = arith.addi %mul3A_12, %scan3A_11 : i32
      %jit3A = arith.constant 8 : i32
      %div3A = arith.divsi %add3A, %jit3A : i32
      %sign3A = arith.constant 0 : i32
      %sign3A_13 = arith.cmpi sgt, %add3A, %sign3A : i32
      %sign3A_14 = arith.extui %sign3A_13 : i1 to i32
      %sign3A_15 = arith.constant 0 : i32
      %sign3A_16 = arith.cmpi slt, %add3A, %sign3A_15 : i32
      %sign3A_17 = arith.extui %sign3A_16 : i1 to i32
      %sign3A_18 = arith.subi %sign3A_14, %sign3A_17 : i32
      %sign3A_19 = arith.constant 0 : i32
      %sign3A_20 = arith.cmpi sgt, %jit3A, %sign3A_19 : i32
      %sign3A_21 = arith.extui %sign3A_20 : i1 to i32
      %sign3A_22 = arith.constant 0 : i32
      %sign3A_23 = arith.cmpi slt, %jit3A, %sign3A_22 : i32
      %sign3A_24 = arith.extui %sign3A_23 : i1 to i32
      %sign3A_25 = arith.subi %sign3A_21, %sign3A_24 : i32
      %ne3A = arith.cmpi ne, %sign3A_18, %sign3A_25 : i32
      %rem3A = arith.remsi %add3A, %jit3A : i32
      %ne3A_26 = arith.constant 0 : i32
      %ne3A_27 = arith.cmpi ne, %rem3A, %ne3A_26 : i32
      %and3A = arith.andi %ne3A, %ne3A_27 : i1
      %sub3A = arith.constant 1 : i32
      %sub3A_28 = arith.subi %div3A, %sub3A : i32
      %select_n3A = arith.select %and3A, %sub3A_28, %div3A : i32
      %jit3A_29 = arith.constant 8 : i32
      %eq3A = arith.constant 0 : i32
      %eq3A_30 = arith.cmpi eq, %jit3A_29, %eq3A : i32
      %jit3A_31 = arith.constant 1 : i32
      %select_n3A_32 = arith.select %eq3A_30, %jit3A_31, %jit3A_29 : i32
      %rem3A_33 = arith.remsi %add3A, %select_n3A_32 : i32
      %ne3A_34 = arith.constant 0 : i32
      %ne3A_35 = arith.cmpi ne, %rem3A_33, %ne3A_34 : i32
      %lt3A = arith.constant 0 : i32
      %lt3A_36 = arith.cmpi slt, %rem3A_33, %lt3A : i32
      %lt3A_37 = arith.constant 0 : i32
      %lt3A_38 = arith.cmpi slt, %select_n3A_32, %lt3A_37 : i32
      %ne3A_39 = arith.xori %lt3A_36, %lt3A_38 : i1
      %and3A_40 = arith.andi %ne3A_39, %ne3A_35 : i1
      %add3A_41 = arith.addi %rem3A_33, %select_n3A_32 : i32
      %select_n3A_42 = arith.select %and3A_40, %add3A_41, %rem3A_33 : i32
      %mul3A_43 = arith.constant 2048 : i32
      %mul3A_44 = arith.muli %select_n3A_42, %mul3A_43 : i32
      %mul3A_45 = arith.constant 2048 : i32
      %mul3A_46 = arith.muli %scan3A_11, %mul3A_45 : i32
      "tpu.region"() ({
        %run_scoped3A = tpu.sem_alloc : memref<!tpu.dma_semaphore, #tpu.memory_space<semaphore_mem>>
        %dma_start3A = tpu.memref_slice %arg6[%mul3A_46] : memref<51200xi32, #tpu.memory_space<vmem>> -> memref<2048xi32, #tpu.memory_space<vmem>>
        %dma_start3A_47 = tpu.memref_slice %arg2[%select_n3A, %mul3A_44] : memref<50x16384xi32, #tpu.memory_space<hbm>> -> memref<1x2048xi32, #tpu.memory_space<hbm>>
        %dma_start3A_48 = tpu.memref_squeeze %dma_start3A_47 : memref<1x2048xi32, #tpu.memory_space<hbm>> -> memref<2048xi32, #tpu.memory_space<hbm>>
        %dma_start3A_49 = tpu.memref_slice %arg6[%mul3A_46] : memref<51200xi32, #tpu.memory_space<vmem>> -> memref<2048xi32, #tpu.memory_space<vmem>>
        %dma_start3A_50 = tpu.memref_slice %arg2[%select_n3A, %mul3A_44] : memref<50x16384xi32, #tpu.memory_space<hbm>> -> memref<1x2048xi32, #tpu.memory_space<hbm>>
        %dma_start3A_51 = tpu.memref_squeeze %dma_start3A_50 : memref<1x2048xi32, #tpu.memory_space<hbm>> -> memref<2048xi32, #tpu.memory_space<hbm>>
        tpu.enqueue_dma source(%dma_start3A_51 : memref<2048xi32, #tpu.memory_space<hbm>>) target(%dma_start3A_49 : memref<2048xi32, #tpu.memory_space<vmem>>) target_semaphore(%run_scoped3A : memref<!tpu.dma_semaphore, #tpu.memory_space<semaphore_mem>>)
        %dma_wait3A = tpu.memref_slice %arg6[%mul3A_46] : memref<51200xi32, #tpu.memory_space<vmem>> -> memref<2048xi32, #tpu.memory_space<vmem>>
        %dma_wait3A_52 = tpu.memref_slice %arg2[%select_n3A, %mul3A_44] : memref<50x16384xi32, #tpu.memory_space<hbm>> -> memref<1x2048xi32, #tpu.memory_space<hbm>>
        %dma_wait3A_53 = tpu.memref_squeeze %dma_wait3A_52 : memref<1x2048xi32, #tpu.memory_space<hbm>> -> memref<2048xi32, #tpu.memory_space<hbm>>
        %dma_wait3A_54 = tpu.memref_slice %arg6[%mul3A_46] : memref<51200xi32, #tpu.memory_space<vmem>> -> memref<2048xi32, #tpu.memory_space<vmem>>
        %dma_wait3A_55 = tpu.memref_slice %arg2[%select_n3A, %mul3A_44] : memref<50x16384xi32, #tpu.memory_space<hbm>> -> memref<1x2048xi32, #tpu.memory_space<hbm>>
        %dma_wait3A_56 = tpu.memref_squeeze %dma_wait3A_55 : memref<1x2048xi32, #tpu.memory_space<hbm>> -> memref<2048xi32, #tpu.memory_space<hbm>>
        tpu.wait_dma2 semaphore(%run_scoped3A : memref<!tpu.dma_semaphore, #tpu.memory_space<semaphore_mem>>) src(%dma_wait3A_56 : memref<2048xi32, #tpu.memory_space<hbm>>) dst(%dma_wait3A_54 : memref<2048xi32, #tpu.memory_space<vmem>>)
        tpu.yield
      }) : () -> ()
    }
    %scan3A_4 = arith.constant 25 : i32
    %scan3A_5 = arith.constant 0 : i32
    %scan3A_6 = arith.constant 0 : i32
    %scan3A_7 = arith.constant 16 : i32
    %scan3A_8 = arith.addi %scan3A_6, %scan3A_7 : i32
    %scan3A_9 = arith.constant 1 : i32
    scf.for %scan3A_11 = %scan3A_6 to %scan3A_8 step %scan3A_9  : i32 {
      %mul3A = arith.constant 16 : i32
      %mul3A_12 = arith.muli %arg0, %mul3A : i32
      %add3A = arith.addi %mul3A_12, %scan3A_11 : i32
      %barrier3A = arith.constant 0 : index
      tpu.barrier barrier_id(%barrier3A)
      %mul3A_13 = arith.constant 62464 : i32
      %mul3A_14 = arith.muli %arg1, %mul3A_13 : i32
      %mul3A_15 = arith.constant 62464 : i32
      %mul3A_16 = arith.muli %arg1, %mul3A_15 : i32
      "tpu.region"() ({
        %run_scoped3A = tpu.sem_alloc : memref<!tpu.dma_semaphore, #tpu.memory_space<semaphore_mem>>
        %dma_start3A = tpu.memref_slice %arg7[%mul3A_16] : memref<1000000xf32, #tpu.memory_space<vmem_shared>> -> memref<62464xf32, #tpu.memory_space<vmem_shared>>
        %dma_start3A_26 = tpu.memref_slice %arg3[%add3A, %mul3A_14] : memref<32x999424xf32, #tpu.memory_space<hbm>> -> memref<1x62464xf32, #tpu.memory_space<hbm>>
        %dma_start3A_27 = tpu.memref_squeeze %dma_start3A_26 : memref<1x62464xf32, #tpu.memory_space<hbm>> -> memref<62464xf32, #tpu.memory_space<hbm>>
        tpu.enqueue_dma source(%dma_start3A_27 : memref<62464xf32, #tpu.memory_space<hbm>>) target(%dma_start3A : memref<62464xf32, #tpu.memory_space<vmem_shared>>) target_semaphore(%run_scoped3A : memref<!tpu.dma_semaphore, #tpu.memory_space<semaphore_mem>>)
        %dma_wait3A = tpu.memref_slice %arg7[%mul3A_16] : memref<1000000xf32, #tpu.memory_space<vmem_shared>> -> memref<62464xf32, #tpu.memory_space<vmem_shared>>
        %dma_wait3A_28 = tpu.memref_slice %arg3[%add3A, %mul3A_14] : memref<32x999424xf32, #tpu.memory_space<hbm>> -> memref<1x62464xf32, #tpu.memory_space<hbm>>
        %dma_wait3A_29 = tpu.memref_squeeze %dma_wait3A_28 : memref<1x62464xf32, #tpu.memory_space<hbm>> -> memref<62464xf32, #tpu.memory_space<hbm>>
        tpu.wait_dma2 semaphore(%run_scoped3A : memref<!tpu.dma_semaphore, #tpu.memory_space<semaphore_mem>>) src(%dma_wait3A_29 : memref<62464xf32, #tpu.memory_space<hbm>>) dst(%dma_wait3A : memref<62464xf32, #tpu.memory_space<vmem_shared>>)
        tpu.yield
      }) : () -> ()
      %eq3A = arith.constant 0 : i32
      %eq3A_17 = arith.cmpi eq, %arg1, %eq3A : i32
      %convert_element_type3A = arith.extui %eq3A_17 : i1 to i32
      %cond3A = arith.constant 0 : i32
      %cond3A_18 = arith.cmpi ne, %convert_element_type3A, %cond3A : i32
      scf.if %cond3A_18 {
        "tpu.region"() ({
          %run_scoped3A = tpu.sem_alloc : memref<!tpu.dma_semaphore, #tpu.memory_space<semaphore_mem>>
          %dma_start3A = arith.constant 999424 : i32
          %dma_start3A_26 = tpu.memref_slice %arg7[%dma_start3A] : memref<1000000xf32, #tpu.memory_space<vmem_shared>> -> memref<576xf32, #tpu.memory_space<vmem_shared>>
          %dma_start3A_27 = arith.constant 0 : i32
          %dma_start3A_28 = tpu.memref_slice %arg4[%add3A, %dma_start3A_27] : memref<32x576xf32, #tpu.memory_space<hbm>> -> memref<1x576xf32, #tpu.memory_space<hbm>>
          %dma_start3A_29 = tpu.memref_squeeze %dma_start3A_28 : memref<1x576xf32, #tpu.memory_space<hbm>> -> memref<576xf32, #tpu.memory_space<hbm>>
          tpu.enqueue_dma source(%dma_start3A_29 : memref<576xf32, #tpu.memory_space<hbm>>) target(%dma_start3A_26 : memref<576xf32, #tpu.memory_space<vmem_shared>>) target_semaphore(%run_scoped3A : memref<!tpu.dma_semaphore, #tpu.memory_space<semaphore_mem>>)
          %dma_wait3A = arith.constant 999424 : i32
          %dma_wait3A_30 = tpu.memref_slice %arg7[%dma_wait3A] : memref<1000000xf32, #tpu.memory_space<vmem_shared>> -> memref<576xf32, #tpu.memory_space<vmem_shared>>
          %dma_wait3A_31 = arith.constant 0 : i32
          %dma_wait3A_32 = tpu.memref_slice %arg4[%add3A, %dma_wait3A_31] : memref<32x576xf32, #tpu.memory_space<hbm>> -> memref<1x576xf32, #tpu.memory_space<hbm>>
          %dma_wait3A_33 = tpu.memref_squeeze %dma_wait3A_32 : memref<1x576xf32, #tpu.memory_space<hbm>> -> memref<576xf32, #tpu.memory_space<hbm>>
          tpu.wait_dma2 semaphore(%run_scoped3A : memref<!tpu.dma_semaphore, #tpu.memory_space<semaphore_mem>>) src(%dma_wait3A_33 : memref<576xf32, #tpu.memory_space<hbm>>) dst(%dma_wait3A_30 : memref<576xf32, #tpu.memory_space<vmem_shared>>)
          tpu.yield
        }) : () -> ()
      } else {
      }
      %barrier3A_19 = arith.constant 0 : index
      tpu.barrier barrier_id(%barrier3A_19)
      %scan3A_20 = arith.constant 0 : i32
      %scan3A_21 = arith.constant 0 : i32
      %scan3A_22 = arith.constant 5 : i32
      %scan3A_23 = arith.addi %scan3A_21, %scan3A_22 : i32
      %scan3A_24 = arith.constant 1 : i32
      scf.for %scan3A_26 = %scan3A_21 to %scan3A_23 step %scan3A_24  : i32 {
        %scan3A_27 = arith.constant 0 : i32
        %scan3A_28 = arith.constant 0 : i32
        %scan3A_29 = arith.constant 5 : i32
        %scan3A_30 = arith.addi %scan3A_28, %scan3A_29 : i32
        %scan3A_31 = arith.constant 1 : i32
        scf.for %scan3A_51 = %scan3A_28 to %scan3A_30 step %scan3A_31  : i32 {
          %mul3A_52 = arith.constant 5 : i32
          %mul3A_53 = arith.muli %scan3A_26, %mul3A_52 : i32
          %add3A_54 = arith.addi %mul3A_53, %scan3A_51 : i32
          %mul3A_55 = arith.constant 2048 : i32
          %mul3A_56 = arith.muli %add3A_54, %mul3A_55 : i32
          %mul3A_57 = arith.constant 2048 : i32
          %mul3A_58 = arith.muli %scan3A_51, %mul3A_57 : i32
          %dma_start3A = tpu.memref_slice %arg8[%mul3A_58] : memref<10240xf32, #tpu.memory_space<vmem>> -> memref<2048xf32, #tpu.memory_space<vmem>>
          %dma_start3A_59 = tpu.memref_slice %arg6[%mul3A_56] : memref<51200xi32, #tpu.memory_space<vmem>> -> memref<2048xi32, #tpu.memory_space<vmem>>
          %dma_start3A_60 = arith.constant 0 : i32
          %dma_start3A_61 = tpu.memref_slice %arg7[%dma_start3A_60] : memref<1000000xf32, #tpu.memory_space<vmem_shared>> -> memref<1000000xf32, #tpu.memory_space<vmem_shared>>
          tpu.enqueue_indirect_dma source(%dma_start3A_61 : memref<1000000xf32, #tpu.memory_space<vmem_shared>>) target(%dma_start3A : memref<2048xf32, #tpu.memory_space<vmem>>) offsets(%dma_start3A_59 : memref<2048xi32, #tpu.memory_space<vmem>>) semaphore(%arg9 : memref<!tpu.dma_semaphore, #tpu.memory_space<semaphore_mem>>)
        }
        %scan3A_32 = arith.constant 5 : i32
        %scan3A_33 = arith.constant 0 : i32
        %scan3A_34 = arith.constant 0 : i32
        %scan3A_35 = arith.constant 5 : i32
        %scan3A_36 = arith.addi %scan3A_34, %scan3A_35 : i32
        %scan3A_37 = arith.constant 1 : i32
        scf.for %scan3A_51 = %scan3A_34 to %scan3A_36 step %scan3A_37  : i32 {
          %mul3A_52 = arith.constant 2048 : i32
          %mul3A_53 = arith.muli %scan3A_51, %mul3A_52 : i32
          %dma_wait3A = arith.constant 0 : i32
          %dma_wait3A_54 = tpu.memref_slice %arg8[%mul3A_53] : memref<10240xf32, #tpu.memory_space<vmem>> -> memref<2048xf32, #tpu.memory_space<vmem>>
          %dma_wait3A_55 = arith.constant 0 : i32
          %dma_wait3A_56 = tpu.memref_slice %arg3[%dma_wait3A, %dma_wait3A_55] : memref<32x999424xf32, #tpu.memory_space<hbm>> -> memref<1x2048xf32, #tpu.memory_space<hbm>>
          %dma_wait3A_57 = tpu.memref_squeeze %dma_wait3A_56 : memref<1x2048xf32, #tpu.memory_space<hbm>> -> memref<2048xf32, #tpu.memory_space<hbm>>
          %dma_wait3A_58 = tpu.memref_slice %arg8[%mul3A_53] : memref<10240xf32, #tpu.memory_space<vmem>> -> memref<2048xf32, #tpu.memory_space<vmem>>
          %dma_wait3A_59 = arith.constant 0 : i32
          %dma_wait3A_60 = tpu.memref_slice %arg3[%dma_wait3A, %dma_wait3A_59] : memref<32x999424xf32, #tpu.memory_space<hbm>> -> memref<1x2048xf32, #tpu.memory_space<hbm>>
          %dma_wait3A_61 = tpu.memref_squeeze %dma_wait3A_60 : memref<1x2048xf32, #tpu.memory_space<hbm>> -> memref<2048xf32, #tpu.memory_space<hbm>>
          tpu.wait_dma2 semaphore(%arg9 : memref<!tpu.dma_semaphore, #tpu.memory_space<semaphore_mem>>) src(%dma_wait3A_61 : memref<2048xf32, #tpu.memory_space<hbm>>) dst(%dma_wait3A_58 : memref<2048xf32, #tpu.memory_space<vmem>>)
        }
        %scan3A_38 = arith.constant 5 : i32
        %scan3A_39 = arith.constant 0 : i32
        %scan3A_40 = arith.constant 0 : i32
        %scan3A_41 = arith.constant 5 : i32
        %scan3A_42 = arith.addi %scan3A_40, %scan3A_41 : i32
        %scan3A_43 = arith.constant 1 : i32
        scf.for %scan3A_51 = %scan3A_40 to %scan3A_42 step %scan3A_43  : i32 {
          %mul3A_52 = arith.constant 25 : i32
          %mul3A_53 = arith.muli %arg1, %mul3A_52 : i32
          %mul3A_54 = arith.constant 5 : i32
          %mul3A_55 = arith.muli %scan3A_26, %mul3A_54 : i32
          %add3A_56 = arith.addi %mul3A_53, %mul3A_55 : i32
          %add3A_57 = arith.addi %add3A_56, %scan3A_51 : i32
          %jit3A = arith.constant 8 : i32
          %div3A = arith.divsi %add3A_57, %jit3A : i32
          %sign3A = arith.constant 0 : i32
          %sign3A_58 = arith.cmpi sgt, %add3A_57, %sign3A : i32
          %sign3A_59 = arith.extui %sign3A_58 : i1 to i32
          %sign3A_60 = arith.constant 0 : i32
          %sign3A_61 = arith.cmpi slt, %add3A_57, %sign3A_60 : i32
          %sign3A_62 = arith.extui %sign3A_61 : i1 to i32
          %sign3A_63 = arith.subi %sign3A_59, %sign3A_62 : i32
          %sign3A_64 = arith.constant 0 : i32
          %sign3A_65 = arith.cmpi sgt, %jit3A, %sign3A_64 : i32
          %sign3A_66 = arith.extui %sign3A_65 : i1 to i32
          %sign3A_67 = arith.constant 0 : i32
          %sign3A_68 = arith.cmpi slt, %jit3A, %sign3A_67 : i32
          %sign3A_69 = arith.extui %sign3A_68 : i1 to i32
          %sign3A_70 = arith.subi %sign3A_66, %sign3A_69 : i32
          %ne3A = arith.cmpi ne, %sign3A_63, %sign3A_70 : i32
          %rem3A = arith.remsi %add3A_57, %jit3A : i32
          %ne3A_71 = arith.constant 0 : i32
          %ne3A_72 = arith.cmpi ne, %rem3A, %ne3A_71 : i32
          %and3A = arith.andi %ne3A, %ne3A_72 : i1
          %sub3A = arith.constant 1 : i32
          %sub3A_73 = arith.subi %div3A, %sub3A : i32
          %select_n3A = arith.select %and3A, %sub3A_73, %div3A : i32
          %jit3A_74 = arith.constant 8 : i32
          %eq3A_75 = arith.constant 0 : i32
          %eq3A_76 = arith.cmpi eq, %jit3A_74, %eq3A_75 : i32
          %jit3A_77 = arith.constant 1 : i32
          %select_n3A_78 = arith.select %eq3A_76, %jit3A_77, %jit3A_74 : i32
          %rem3A_79 = arith.remsi %add3A_57, %select_n3A_78 : i32
          %ne3A_80 = arith.constant 0 : i32
          %ne3A_81 = arith.cmpi ne, %rem3A_79, %ne3A_80 : i32
          %lt3A = arith.constant 0 : i32
          %lt3A_82 = arith.cmpi slt, %rem3A_79, %lt3A : i32
          %lt3A_83 = arith.constant 0 : i32
          %lt3A_84 = arith.cmpi slt, %select_n3A_78, %lt3A_83 : i32
          %ne3A_85 = arith.xori %lt3A_82, %lt3A_84 : i1
          %and3A_86 = arith.andi %ne3A_85, %ne3A_81 : i1
          %add3A_87 = arith.addi %rem3A_79, %select_n3A_78 : i32
          %select_n3A_88 = arith.select %and3A_86, %add3A_87, %rem3A_79 : i32
          %mul3A_89 = arith.constant 2048 : i32
          %mul3A_90 = arith.muli %select_n3A_88, %mul3A_89 : i32
          %mul3A_91 = arith.constant 2048 : i32
          %mul3A_92 = arith.muli %scan3A_51, %mul3A_91 : i32
          %dma_start3A = tpu.memref_slice %arg8[%mul3A_92] : memref<10240xf32, #tpu.memory_space<vmem>> -> memref<2048xf32, #tpu.memory_space<vmem>>
          %dma_start3A_93 = tpu.memref_slice %arg5[%select_n3A, %add3A, %mul3A_90] : memref<50x32x16384xf32, #tpu.memory_space<hbm>> -> memref<1x1x2048xf32, #tpu.memory_space<hbm>>
          %dma_start3A_94 = tpu.memref_squeeze %dma_start3A_93 : memref<1x1x2048xf32, #tpu.memory_space<hbm>> -> memref<2048xf32, #tpu.memory_space<hbm>>
          %dma_start3A_95 = tpu.memref_slice %arg5[%select_n3A, %add3A, %mul3A_90] : memref<50x32x16384xf32, #tpu.memory_space<hbm>> -> memref<1x1x2048xf32, #tpu.memory_space<hbm>>
          %dma_start3A_96 = tpu.memref_squeeze %dma_start3A_95 : memref<1x1x2048xf32, #tpu.memory_space<hbm>> -> memref<2048xf32, #tpu.memory_space<hbm>>
          %dma_start3A_97 = tpu.memref_slice %arg8[%mul3A_92] : memref<10240xf32, #tpu.memory_space<vmem>> -> memref<2048xf32, #tpu.memory_space<vmem>>
          tpu.enqueue_dma source(%dma_start3A_97 : memref<2048xf32, #tpu.memory_space<vmem>>) target(%dma_start3A_96 : memref<2048xf32, #tpu.memory_space<hbm>>) target_semaphore(%arg10 : memref<!tpu.dma_semaphore, #tpu.memory_space<semaphore_mem>>)
        }
        %scan3A_44 = arith.constant 5 : i32
        %scan3A_45 = arith.constant 0 : i32
        %scan3A_46 = arith.constant 0 : i32
        %scan3A_47 = arith.constant 5 : i32
        %scan3A_48 = arith.addi %scan3A_46, %scan3A_47 : i32
        %scan3A_49 = arith.constant 1 : i32
        scf.for %scan3A_51 = %scan3A_46 to %scan3A_48 step %scan3A_49  : i32 {
          %mul3A_52 = arith.constant 2048 : i32
          %mul3A_53 = arith.muli %scan3A_51, %mul3A_52 : i32
          %dma_wait3A = arith.constant 0 : i32
          %dma_wait3A_54 = arith.constant 0 : i32
          %dma_wait3A_55 = tpu.memref_slice %arg8[%mul3A_53] : memref<10240xf32, #tpu.memory_space<vmem>> -> memref<2048xf32, #tpu.memory_space<vmem>>
          %dma_wait3A_56 = arith.constant 0 : i32
          %dma_wait3A_57 = tpu.memref_slice %arg5[%dma_wait3A, %dma_wait3A_54, %dma_wait3A_56] : memref<50x32x16384xf32, #tpu.memory_space<hbm>> -> memref<1x1x2048xf32, #tpu.memory_space<hbm>>
          %dma_wait3A_58 = tpu.memref_squeeze %dma_wait3A_57 : memref<1x1x2048xf32, #tpu.memory_space<hbm>> -> memref<2048xf32, #tpu.memory_space<hbm>>
          %dma_wait3A_59 = arith.constant 0 : i32
          %dma_wait3A_60 = tpu.memref_slice %arg5[%dma_wait3A, %dma_wait3A_54, %dma_wait3A_59] : memref<50x32x16384xf32, #tpu.memory_space<hbm>> -> memref<1x1x2048xf32, #tpu.memory_space<hbm>>
          %dma_wait3A_61 = tpu.memref_squeeze %dma_wait3A_60 : memref<1x1x2048xf32, #tpu.memory_space<hbm>> -> memref<2048xf32, #tpu.memory_space<hbm>>
          %dma_wait3A_62 = tpu.memref_slice %arg8[%mul3A_53] : memref<10240xf32, #tpu.memory_space<vmem>> -> memref<2048xf32, #tpu.memory_space<vmem>>
          tpu.wait_dma2 semaphore(%arg10 : memref<!tpu.dma_semaphore, #tpu.memory_space<semaphore_mem>>) src(%dma_wait3A_62 : memref<2048xf32, #tpu.memory_space<vmem>>) dst(%dma_wait3A_61 : memref<2048xf32, #tpu.memory_space<hbm>>)
        }
        %scan3A_50 = arith.constant 5 : i32
      }
      %scan3A_25 = arith.constant 5 : i32
    }
    %scan3A_10 = arith.constant 16 : i32
    return
  }
}

module attributes {stable_mosaic.version = 14 : i64} {
  func.func @_retile_body(%arg0: memref<32x1000000xf32, #tpu.memory_space<hbm>>, %arg1: memref<31981568xf32, #tpu.memory_space<hbm>>, %arg2: memref<8x499712xf32, #tpu.memory_space<vmem>>, %arg3: memref<!tpu.dma_semaphore, #tpu.memory_space<semaphore_mem>>) attributes {dimension_semantics = [], scalar_prefetch = 0 : i64, scratch_operands = 2 : i64, tpu.core_type = #tpu.core_type<tc>} {
    %scan3A = arith.constant 0 : i32
    %scan3A_0 = arith.constant 4 : i32
    %scan3A_1 = arith.addi %scan3A, %scan3A_0 : i32
    %scan3A_2 = arith.constant 1 : i32
    scf.for %scan3A_4 = %scan3A to %scan3A_1 step %scan3A_2  : i32 {
      %mul3A = arith.constant 8 : i32
      %mul3A_5 = arith.muli %scan3A_4, %mul3A : i32
      %multiple_of3A = tpu.assume_multiple %mul3A_5, 8 : i32
      "tpu.region"() ({
        %run_scoped3A_148 = tpu.sem_alloc : memref<!tpu.dma_semaphore, #tpu.memory_space<semaphore_mem>>
        %dma_start3A = arith.constant 0 : i32
        %dma_start3A_149 = tpu.memref_slice %arg0[%multiple_of3A, %dma_start3A] : memref<32x1000000xf32, #tpu.memory_space<hbm>> -> memref<8x499712xf32, #tpu.memory_space<hbm>>
        tpu.enqueue_dma source(%dma_start3A_149 : memref<8x499712xf32, #tpu.memory_space<hbm>>) target(%arg2 : memref<8x499712xf32, #tpu.memory_space<vmem>>) target_semaphore(%run_scoped3A_148 : memref<!tpu.dma_semaphore, #tpu.memory_space<semaphore_mem>>)
        %dma_wait3A = arith.constant 0 : i32
        %dma_wait3A_150 = tpu.memref_slice %arg0[%multiple_of3A, %dma_wait3A] : memref<32x1000000xf32, #tpu.memory_space<hbm>> -> memref<8x499712xf32, #tpu.memory_space<hbm>>
        tpu.wait_dma2 semaphore(%run_scoped3A_148 : memref<!tpu.dma_semaphore, #tpu.memory_space<semaphore_mem>>) src(%dma_wait3A_150 : memref<8x499712xf32, #tpu.memory_space<hbm>>) dst(%arg2 : memref<8x499712xf32, #tpu.memory_space<vmem>>)
        tpu.yield
      }) : () -> ()
      %mul3A_6 = arith.constant 8 : i32
      %mul3A_7 = arith.muli %scan3A_4, %mul3A_6 : i32
      %add3A = arith.constant 0 : i32
      %add3A_8 = arith.addi %mul3A_7, %add3A : i32
      %mul3A_9 = arith.constant 999424 : i32
      %mul3A_10 = arith.muli %add3A_8, %mul3A_9 : i32
      %add3A_11 = arith.constant 0 : i32
      %add3A_12 = arith.addi %mul3A_10, %add3A_11 : i32
      %run_scoped3A = arith.constant 0 : i32
      "tpu.region"() ({
        %run_scoped3A_148 = tpu.sem_alloc : memref<!tpu.dma_semaphore, #tpu.memory_space<semaphore_mem>>
        %dma_start3A = tpu.memref_slice %arg1[%add3A_12] : memref<31981568xf32, #tpu.memory_space<hbm>> -> memref<499712xf32, #tpu.memory_space<hbm>>
        %dma_start3A_149 = arith.constant 0 : i32
        %dma_start3A_150 = tpu.memref_slice %arg2[%run_scoped3A, %dma_start3A_149] : memref<8x499712xf32, #tpu.memory_space<vmem>> -> memref<1x499712xf32, #tpu.memory_space<vmem>>
        %dma_start3A_151 = tpu.memref_squeeze %dma_start3A_150 : memref<1x499712xf32, #tpu.memory_space<vmem>> -> memref<499712xf32, #tpu.memory_space<vmem>>
        tpu.enqueue_dma source(%dma_start3A_151 : memref<499712xf32, #tpu.memory_space<vmem>>) target(%dma_start3A : memref<499712xf32, #tpu.memory_space<hbm>>) target_semaphore(%run_scoped3A_148 : memref<!tpu.dma_semaphore, #tpu.memory_space<semaphore_mem>>)
        %dma_wait3A = tpu.memref_slice %arg1[%add3A_12] : memref<31981568xf32, #tpu.memory_space<hbm>> -> memref<499712xf32, #tpu.memory_space<hbm>>
        %dma_wait3A_152 = arith.constant 0 : i32
        %dma_wait3A_153 = tpu.memref_slice %arg2[%run_scoped3A, %dma_wait3A_152] : memref<8x499712xf32, #tpu.memory_space<vmem>> -> memref<1x499712xf32, #tpu.memory_space<vmem>>
        %dma_wait3A_154 = tpu.memref_squeeze %dma_wait3A_153 : memref<1x499712xf32, #tpu.memory_space<vmem>> -> memref<499712xf32, #tpu.memory_space<vmem>>
        tpu.wait_dma2 semaphore(%run_scoped3A_148 : memref<!tpu.dma_semaphore, #tpu.memory_space<semaphore_mem>>) src(%dma_wait3A_154 : memref<499712xf32, #tpu.memory_space<vmem>>) dst(%dma_wait3A : memref<499712xf32, #tpu.memory_space<hbm>>)
        tpu.yield
      }) : () -> ()
      %mul3A_13 = arith.constant 8 : i32
      %mul3A_14 = arith.muli %scan3A_4, %mul3A_13 : i32
      %add3A_15 = arith.constant 1 : i32
      %add3A_16 = arith.addi %mul3A_14, %add3A_15 : i32
      %mul3A_17 = arith.constant 999424 : i32
      %mul3A_18 = arith.muli %add3A_16, %mul3A_17 : i32
      %add3A_19 = arith.constant 0 : i32
      %add3A_20 = arith.addi %mul3A_18, %add3A_19 : i32
      %run_scoped3A_21 = arith.constant 1 : i32
      "tpu.region"() ({
        %run_scoped3A_148 = tpu.sem_alloc : memref<!tpu.dma_semaphore, #tpu.memory_space<semaphore_mem>>
        %dma_start3A = tpu.memref_slice %arg1[%add3A_20] : memref<31981568xf32, #tpu.memory_space<hbm>> -> memref<499712xf32, #tpu.memory_space<hbm>>
        %dma_start3A_149 = arith.constant 0 : i32
        %dma_start3A_150 = tpu.memref_slice %arg2[%run_scoped3A_21, %dma_start3A_149] : memref<8x499712xf32, #tpu.memory_space<vmem>> -> memref<1x499712xf32, #tpu.memory_space<vmem>>
        %dma_start3A_151 = tpu.memref_squeeze %dma_start3A_150 : memref<1x499712xf32, #tpu.memory_space<vmem>> -> memref<499712xf32, #tpu.memory_space<vmem>>
        tpu.enqueue_dma source(%dma_start3A_151 : memref<499712xf32, #tpu.memory_space<vmem>>) target(%dma_start3A : memref<499712xf32, #tpu.memory_space<hbm>>) target_semaphore(%run_scoped3A_148 : memref<!tpu.dma_semaphore, #tpu.memory_space<semaphore_mem>>)
        %dma_wait3A = tpu.memref_slice %arg1[%add3A_20] : memref<31981568xf32, #tpu.memory_space<hbm>> -> memref<499712xf32, #tpu.memory_space<hbm>>
        %dma_wait3A_152 = arith.constant 0 : i32
        %dma_wait3A_153 = tpu.memref_slice %arg2[%run_scoped3A_21, %dma_wait3A_152] : memref<8x499712xf32, #tpu.memory_space<vmem>> -> memref<1x499712xf32, #tpu.memory_space<vmem>>
        %dma_wait3A_154 = tpu.memref_squeeze %dma_wait3A_153 : memref<1x499712xf32, #tpu.memory_space<vmem>> -> memref<499712xf32, #tpu.memory_space<vmem>>
        tpu.wait_dma2 semaphore(%run_scoped3A_148 : memref<!tpu.dma_semaphore, #tpu.memory_space<semaphore_mem>>) src(%dma_wait3A_154 : memref<499712xf32, #tpu.memory_space<vmem>>) dst(%dma_wait3A : memref<499712xf32, #tpu.memory_space<hbm>>)
        tpu.yield
      }) : () -> ()
      %mul3A_22 = arith.constant 8 : i32
      %mul3A_23 = arith.muli %scan3A_4, %mul3A_22 : i32
      %add3A_24 = arith.constant 2 : i32
      %add3A_25 = arith.addi %mul3A_23, %add3A_24 : i32
      %mul3A_26 = arith.constant 999424 : i32
      %mul3A_27 = arith.muli %add3A_25, %mul3A_26 : i32
      %add3A_28 = arith.constant 0 : i32
      %add3A_29 = arith.addi %mul3A_27, %add3A_28 : i32
      %run_scoped3A_30 = arith.constant 2 : i32
      "tpu.region"() ({
        %run_scoped3A_148 = tpu.sem_alloc : memref<!tpu.dma_semaphore, #tpu.memory_space<semaphore_mem>>
        %dma_start3A = tpu.memref_slice %arg1[%add3A_29] : memref<31981568xf32, #tpu.memory_space<hbm>> -> memref<499712xf32, #tpu.memory_space<hbm>>
        %dma_start3A_149 = arith.constant 0 : i32
        %dma_start3A_150 = tpu.memref_slice %arg2[%run_scoped3A_30, %dma_start3A_149] : memref<8x499712xf32, #tpu.memory_space<vmem>> -> memref<1x499712xf32, #tpu.memory_space<vmem>>
        %dma_start3A_151 = tpu.memref_squeeze %dma_start3A_150 : memref<1x499712xf32, #tpu.memory_space<vmem>> -> memref<499712xf32, #tpu.memory_space<vmem>>
        tpu.enqueue_dma source(%dma_start3A_151 : memref<499712xf32, #tpu.memory_space<vmem>>) target(%dma_start3A : memref<499712xf32, #tpu.memory_space<hbm>>) target_semaphore(%run_scoped3A_148 : memref<!tpu.dma_semaphore, #tpu.memory_space<semaphore_mem>>)
        %dma_wait3A = tpu.memref_slice %arg1[%add3A_29] : memref<31981568xf32, #tpu.memory_space<hbm>> -> memref<499712xf32, #tpu.memory_space<hbm>>
        %dma_wait3A_152 = arith.constant 0 : i32
        %dma_wait3A_153 = tpu.memref_slice %arg2[%run_scoped3A_30, %dma_wait3A_152] : memref<8x499712xf32, #tpu.memory_space<vmem>> -> memref<1x499712xf32, #tpu.memory_space<vmem>>
        %dma_wait3A_154 = tpu.memref_squeeze %dma_wait3A_153 : memref<1x499712xf32, #tpu.memory_space<vmem>> -> memref<499712xf32, #tpu.memory_space<vmem>>
        tpu.wait_dma2 semaphore(%run_scoped3A_148 : memref<!tpu.dma_semaphore, #tpu.memory_space<semaphore_mem>>) src(%dma_wait3A_154 : memref<499712xf32, #tpu.memory_space<vmem>>) dst(%dma_wait3A : memref<499712xf32, #tpu.memory_space<hbm>>)
        tpu.yield
      }) : () -> ()
      %mul3A_31 = arith.constant 8 : i32
      %mul3A_32 = arith.muli %scan3A_4, %mul3A_31 : i32
      %add3A_33 = arith.constant 3 : i32
      %add3A_34 = arith.addi %mul3A_32, %add3A_33 : i32
      %mul3A_35 = arith.constant 999424 : i32
      %mul3A_36 = arith.muli %add3A_34, %mul3A_35 : i32
      %add3A_37 = arith.constant 0 : i32
      %add3A_38 = arith.addi %mul3A_36, %add3A_37 : i32
      %run_scoped3A_39 = arith.constant 3 : i32
      "tpu.region"() ({
        %run_scoped3A_148 = tpu.sem_alloc : memref<!tpu.dma_semaphore, #tpu.memory_space<semaphore_mem>>
        %dma_start3A = tpu.memref_slice %arg1[%add3A_38] : memref<31981568xf32, #tpu.memory_space<hbm>> -> memref<499712xf32, #tpu.memory_space<hbm>>
        %dma_start3A_149 = arith.constant 0 : i32
        %dma_start3A_150 = tpu.memref_slice %arg2[%run_scoped3A_39, %dma_start3A_149] : memref<8x499712xf32, #tpu.memory_space<vmem>> -> memref<1x499712xf32, #tpu.memory_space<vmem>>
        %dma_start3A_151 = tpu.memref_squeeze %dma_start3A_150 : memref<1x499712xf32, #tpu.memory_space<vmem>> -> memref<499712xf32, #tpu.memory_space<vmem>>
        tpu.enqueue_dma source(%dma_start3A_151 : memref<499712xf32, #tpu.memory_space<vmem>>) target(%dma_start3A : memref<499712xf32, #tpu.memory_space<hbm>>) target_semaphore(%run_scoped3A_148 : memref<!tpu.dma_semaphore, #tpu.memory_space<semaphore_mem>>)
        %dma_wait3A = tpu.memref_slice %arg1[%add3A_38] : memref<31981568xf32, #tpu.memory_space<hbm>> -> memref<499712xf32, #tpu.memory_space<hbm>>
        %dma_wait3A_152 = arith.constant 0 : i32
        %dma_wait3A_153 = tpu.memref_slice %arg2[%run_scoped3A_39, %dma_wait3A_152] : memref<8x499712xf32, #tpu.memory_space<vmem>> -> memref<1x499712xf32, #tpu.memory_space<vmem>>
        %dma_wait3A_154 = tpu.memref_squeeze %dma_wait3A_153 : memref<1x499712xf32, #tpu.memory_space<vmem>> -> memref<499712xf32, #tpu.memory_space<vmem>>
        tpu.wait_dma2 semaphore(%run_scoped3A_148 : memref<!tpu.dma_semaphore, #tpu.memory_space<semaphore_mem>>) src(%dma_wait3A_154 : memref<499712xf32, #tpu.memory_space<vmem>>) dst(%dma_wait3A : memref<499712xf32, #tpu.memory_space<hbm>>)
        tpu.yield
      }) : () -> ()
      %mul3A_40 = arith.constant 8 : i32
      %mul3A_41 = arith.muli %scan3A_4, %mul3A_40 : i32
      %add3A_42 = arith.constant 4 : i32
      %add3A_43 = arith.addi %mul3A_41, %add3A_42 : i32
      %mul3A_44 = arith.constant 999424 : i32
      %mul3A_45 = arith.muli %add3A_43, %mul3A_44 : i32
      %add3A_46 = arith.constant 0 : i32
      %add3A_47 = arith.addi %mul3A_45, %add3A_46 : i32
      %run_scoped3A_48 = arith.constant 4 : i32
      "tpu.region"() ({
        %run_scoped3A_148 = tpu.sem_alloc : memref<!tpu.dma_semaphore, #tpu.memory_space<semaphore_mem>>
        %dma_start3A = tpu.memref_slice %arg1[%add3A_47] : memref<31981568xf32, #tpu.memory_space<hbm>> -> memref<499712xf32, #tpu.memory_space<hbm>>
        %dma_start3A_149 = arith.constant 0 : i32
        %dma_start3A_150 = tpu.memref_slice %arg2[%run_scoped3A_48, %dma_start3A_149] : memref<8x499712xf32, #tpu.memory_space<vmem>> -> memref<1x499712xf32, #tpu.memory_space<vmem>>
        %dma_start3A_151 = tpu.memref_squeeze %dma_start3A_150 : memref<1x499712xf32, #tpu.memory_space<vmem>> -> memref<499712xf32, #tpu.memory_space<vmem>>
        tpu.enqueue_dma source(%dma_start3A_151 : memref<499712xf32, #tpu.memory_space<vmem>>) target(%dma_start3A : memref<499712xf32, #tpu.memory_space<hbm>>) target_semaphore(%run_scoped3A_148 : memref<!tpu.dma_semaphore, #tpu.memory_space<semaphore_mem>>)
        %dma_wait3A = tpu.memref_slice %arg1[%add3A_47] : memref<31981568xf32, #tpu.memory_space<hbm>> -> memref<499712xf32, #tpu.memory_space<hbm>>
        %dma_wait3A_152 = arith.constant 0 : i32
        %dma_wait3A_153 = tpu.memref_slice %arg2[%run_scoped3A_48, %dma_wait3A_152] : memref<8x499712xf32, #tpu.memory_space<vmem>> -> memref<1x499712xf32, #tpu.memory_space<vmem>>
        %dma_wait3A_154 = tpu.memref_squeeze %dma_wait3A_153 : memref<1x499712xf32, #tpu.memory_space<vmem>> -> memref<499712xf32, #tpu.memory_space<vmem>>
        tpu.wait_dma2 semaphore(%run_scoped3A_148 : memref<!tpu.dma_semaphore, #tpu.memory_space<semaphore_mem>>) src(%dma_wait3A_154 : memref<499712xf32, #tpu.memory_space<vmem>>) dst(%dma_wait3A : memref<499712xf32, #tpu.memory_space<hbm>>)
        tpu.yield
      }) : () -> ()
      %mul3A_49 = arith.constant 8 : i32
      %mul3A_50 = arith.muli %scan3A_4, %mul3A_49 : i32
      %add3A_51 = arith.constant 5 : i32
      %add3A_52 = arith.addi %mul3A_50, %add3A_51 : i32
      %mul3A_53 = arith.constant 999424 : i32
      %mul3A_54 = arith.muli %add3A_52, %mul3A_53 : i32
      %add3A_55 = arith.constant 0 : i32
      %add3A_56 = arith.addi %mul3A_54, %add3A_55 : i32
      %run_scoped3A_57 = arith.constant 5 : i32
      "tpu.region"() ({
        %run_scoped3A_148 = tpu.sem_alloc : memref<!tpu.dma_semaphore, #tpu.memory_space<semaphore_mem>>
        %dma_start3A = tpu.memref_slice %arg1[%add3A_56] : memref<31981568xf32, #tpu.memory_space<hbm>> -> memref<499712xf32, #tpu.memory_space<hbm>>
        %dma_start3A_149 = arith.constant 0 : i32
        %dma_start3A_150 = tpu.memref_slice %arg2[%run_scoped3A_57, %dma_start3A_149] : memref<8x499712xf32, #tpu.memory_space<vmem>> -> memref<1x499712xf32, #tpu.memory_space<vmem>>
        %dma_start3A_151 = tpu.memref_squeeze %dma_start3A_150 : memref<1x499712xf32, #tpu.memory_space<vmem>> -> memref<499712xf32, #tpu.memory_space<vmem>>
        tpu.enqueue_dma source(%dma_start3A_151 : memref<499712xf32, #tpu.memory_space<vmem>>) target(%dma_start3A : memref<499712xf32, #tpu.memory_space<hbm>>) target_semaphore(%run_scoped3A_148 : memref<!tpu.dma_semaphore, #tpu.memory_space<semaphore_mem>>)
        %dma_wait3A = tpu.memref_slice %arg1[%add3A_56] : memref<31981568xf32, #tpu.memory_space<hbm>> -> memref<499712xf32, #tpu.memory_space<hbm>>
        %dma_wait3A_152 = arith.constant 0 : i32
        %dma_wait3A_153 = tpu.memref_slice %arg2[%run_scoped3A_57, %dma_wait3A_152] : memref<8x499712xf32, #tpu.memory_space<vmem>> -> memref<1x499712xf32, #tpu.memory_space<vmem>>
        %dma_wait3A_154 = tpu.memref_squeeze %dma_wait3A_153 : memref<1x499712xf32, #tpu.memory_space<vmem>> -> memref<499712xf32, #tpu.memory_space<vmem>>
        tpu.wait_dma2 semaphore(%run_scoped3A_148 : memref<!tpu.dma_semaphore, #tpu.memory_space<semaphore_mem>>) src(%dma_wait3A_154 : memref<499712xf32, #tpu.memory_space<vmem>>) dst(%dma_wait3A : memref<499712xf32, #tpu.memory_space<hbm>>)
        tpu.yield
      }) : () -> ()
      %mul3A_58 = arith.constant 8 : i32
      %mul3A_59 = arith.muli %scan3A_4, %mul3A_58 : i32
      %add3A_60 = arith.constant 6 : i32
      %add3A_61 = arith.addi %mul3A_59, %add3A_60 : i32
      %mul3A_62 = arith.constant 999424 : i32
      %mul3A_63 = arith.muli %add3A_61, %mul3A_62 : i32
      %add3A_64 = arith.constant 0 : i32
      %add3A_65 = arith.addi %mul3A_63, %add3A_64 : i32
      %run_scoped3A_66 = arith.constant 6 : i32
      "tpu.region"() ({
        %run_scoped3A_148 = tpu.sem_alloc : memref<!tpu.dma_semaphore, #tpu.memory_space<semaphore_mem>>
        %dma_start3A = tpu.memref_slice %arg1[%add3A_65] : memref<31981568xf32, #tpu.memory_space<hbm>> -> memref<499712xf32, #tpu.memory_space<hbm>>
        %dma_start3A_149 = arith.constant 0 : i32
        %dma_start3A_150 = tpu.memref_slice %arg2[%run_scoped3A_66, %dma_start3A_149] : memref<8x499712xf32, #tpu.memory_space<vmem>> -> memref<1x499712xf32, #tpu.memory_space<vmem>>
        %dma_start3A_151 = tpu.memref_squeeze %dma_start3A_150 : memref<1x499712xf32, #tpu.memory_space<vmem>> -> memref<499712xf32, #tpu.memory_space<vmem>>
        tpu.enqueue_dma source(%dma_start3A_151 : memref<499712xf32, #tpu.memory_space<vmem>>) target(%dma_start3A : memref<499712xf32, #tpu.memory_space<hbm>>) target_semaphore(%run_scoped3A_148 : memref<!tpu.dma_semaphore, #tpu.memory_space<semaphore_mem>>)
        %dma_wait3A = tpu.memref_slice %arg1[%add3A_65] : memref<31981568xf32, #tpu.memory_space<hbm>> -> memref<499712xf32, #tpu.memory_space<hbm>>
        %dma_wait3A_152 = arith.constant 0 : i32
        %dma_wait3A_153 = tpu.memref_slice %arg2[%run_scoped3A_66, %dma_wait3A_152] : memref<8x499712xf32, #tpu.memory_space<vmem>> -> memref<1x499712xf32, #tpu.memory_space<vmem>>
        %dma_wait3A_154 = tpu.memref_squeeze %dma_wait3A_153 : memref<1x499712xf32, #tpu.memory_space<vmem>> -> memref<499712xf32, #tpu.memory_space<vmem>>
        tpu.wait_dma2 semaphore(%run_scoped3A_148 : memref<!tpu.dma_semaphore, #tpu.memory_space<semaphore_mem>>) src(%dma_wait3A_154 : memref<499712xf32, #tpu.memory_space<vmem>>) dst(%dma_wait3A : memref<499712xf32, #tpu.memory_space<hbm>>)
        tpu.yield
      }) : () -> ()
      %mul3A_67 = arith.constant 8 : i32
      %mul3A_68 = arith.muli %scan3A_4, %mul3A_67 : i32
      %add3A_69 = arith.constant 7 : i32
      %add3A_70 = arith.addi %mul3A_68, %add3A_69 : i32
      %mul3A_71 = arith.constant 999424 : i32
      %mul3A_72 = arith.muli %add3A_70, %mul3A_71 : i32
      %add3A_73 = arith.constant 0 : i32
      %add3A_74 = arith.addi %mul3A_72, %add3A_73 : i32
      %run_scoped3A_75 = arith.constant 7 : i32
      "tpu.region"() ({
        %run_scoped3A_148 = tpu.sem_alloc : memref<!tpu.dma_semaphore, #tpu.memory_space<semaphore_mem>>
        %dma_start3A = tpu.memref_slice %arg1[%add3A_74] : memref<31981568xf32, #tpu.memory_space<hbm>> -> memref<499712xf32, #tpu.memory_space<hbm>>
        %dma_start3A_149 = arith.constant 0 : i32
        %dma_start3A_150 = tpu.memref_slice %arg2[%run_scoped3A_75, %dma_start3A_149] : memref<8x499712xf32, #tpu.memory_space<vmem>> -> memref<1x499712xf32, #tpu.memory_space<vmem>>
        %dma_start3A_151 = tpu.memref_squeeze %dma_start3A_150 : memref<1x499712xf32, #tpu.memory_space<vmem>> -> memref<499712xf32, #tpu.memory_space<vmem>>
        tpu.enqueue_dma source(%dma_start3A_151 : memref<499712xf32, #tpu.memory_space<vmem>>) target(%dma_start3A : memref<499712xf32, #tpu.memory_space<hbm>>) target_semaphore(%run_scoped3A_148 : memref<!tpu.dma_semaphore, #tpu.memory_space<semaphore_mem>>)
        %dma_wait3A = tpu.memref_slice %arg1[%add3A_74] : memref<31981568xf32, #tpu.memory_space<hbm>> -> memref<499712xf32, #tpu.memory_space<hbm>>
        %dma_wait3A_152 = arith.constant 0 : i32
        %dma_wait3A_153 = tpu.memref_slice %arg2[%run_scoped3A_75, %dma_wait3A_152] : memref<8x499712xf32, #tpu.memory_space<vmem>> -> memref<1x499712xf32, #tpu.memory_space<vmem>>
        %dma_wait3A_154 = tpu.memref_squeeze %dma_wait3A_153 : memref<1x499712xf32, #tpu.memory_space<vmem>> -> memref<499712xf32, #tpu.memory_space<vmem>>
        tpu.wait_dma2 semaphore(%run_scoped3A_148 : memref<!tpu.dma_semaphore, #tpu.memory_space<semaphore_mem>>) src(%dma_wait3A_154 : memref<499712xf32, #tpu.memory_space<vmem>>) dst(%dma_wait3A : memref<499712xf32, #tpu.memory_space<hbm>>)
        tpu.yield
      }) : () -> ()
      "tpu.region"() ({
        %run_scoped3A_148 = tpu.sem_alloc : memref<!tpu.dma_semaphore, #tpu.memory_space<semaphore_mem>>
        %dma_start3A = arith.constant 499712 : i32
        %dma_start3A_149 = tpu.memref_slice %arg0[%multiple_of3A, %dma_start3A] : memref<32x1000000xf32, #tpu.memory_space<hbm>> -> memref<8x499712xf32, #tpu.memory_space<hbm>>
        tpu.enqueue_dma source(%dma_start3A_149 : memref<8x499712xf32, #tpu.memory_space<hbm>>) target(%arg2 : memref<8x499712xf32, #tpu.memory_space<vmem>>) target_semaphore(%run_scoped3A_148 : memref<!tpu.dma_semaphore, #tpu.memory_space<semaphore_mem>>)
        %dma_wait3A = arith.constant 499712 : i32
        %dma_wait3A_150 = tpu.memref_slice %arg0[%multiple_of3A, %dma_wait3A] : memref<32x1000000xf32, #tpu.memory_space<hbm>> -> memref<8x499712xf32, #tpu.memory_space<hbm>>
        tpu.wait_dma2 semaphore(%run_scoped3A_148 : memref<!tpu.dma_semaphore, #tpu.memory_space<semaphore_mem>>) src(%dma_wait3A_150 : memref<8x499712xf32, #tpu.memory_space<hbm>>) dst(%arg2 : memref<8x499712xf32, #tpu.memory_space<vmem>>)
        tpu.yield
      }) : () -> ()
      %mul3A_76 = arith.constant 8 : i32
      %mul3A_77 = arith.muli %scan3A_4, %mul3A_76 : i32
      %add3A_78 = arith.constant 0 : i32
      %add3A_79 = arith.addi %mul3A_77, %add3A_78 : i32
      %mul3A_80 = arith.constant 999424 : i32
      %mul3A_81 = arith.muli %add3A_79, %mul3A_80 : i32
      %add3A_82 = arith.constant 499712 : i32
      %add3A_83 = arith.addi %mul3A_81, %add3A_82 : i32
      %run_scoped3A_84 = arith.constant 0 : i32
      "tpu.region"() ({
        %run_scoped3A_148 = tpu.sem_alloc : memref<!tpu.dma_semaphore, #tpu.memory_space<semaphore_mem>>
        %dma_start3A = tpu.memref_slice %arg1[%add3A_83] : memref<31981568xf32, #tpu.memory_space<hbm>> -> memref<499712xf32, #tpu.memory_space<hbm>>
        %dma_start3A_149 = arith.constant 0 : i32
        %dma_start3A_150 = tpu.memref_slice %arg2[%run_scoped3A_84, %dma_start3A_149] : memref<8x499712xf32, #tpu.memory_space<vmem>> -> memref<1x499712xf32, #tpu.memory_space<vmem>>
        %dma_start3A_151 = tpu.memref_squeeze %dma_start3A_150 : memref<1x499712xf32, #tpu.memory_space<vmem>> -> memref<499712xf32, #tpu.memory_space<vmem>>
        tpu.enqueue_dma source(%dma_start3A_151 : memref<499712xf32, #tpu.memory_space<vmem>>) target(%dma_start3A : memref<499712xf32, #tpu.memory_space<hbm>>) target_semaphore(%run_scoped3A_148 : memref<!tpu.dma_semaphore, #tpu.memory_space<semaphore_mem>>)
        %dma_wait3A = tpu.memref_slice %arg1[%add3A_83] : memref<31981568xf32, #tpu.memory_space<hbm>> -> memref<499712xf32, #tpu.memory_space<hbm>>
        %dma_wait3A_152 = arith.constant 0 : i32
        %dma_wait3A_153 = tpu.memref_slice %arg2[%run_scoped3A_84, %dma_wait3A_152] : memref<8x499712xf32, #tpu.memory_space<vmem>> -> memref<1x499712xf32, #tpu.memory_space<vmem>>
        %dma_wait3A_154 = tpu.memref_squeeze %dma_wait3A_153 : memref<1x499712xf32, #tpu.memory_space<vmem>> -> memref<499712xf32, #tpu.memory_space<vmem>>
        tpu.wait_dma2 semaphore(%run_scoped3A_148 : memref<!tpu.dma_semaphore, #tpu.memory_space<semaphore_mem>>) src(%dma_wait3A_154 : memref<499712xf32, #tpu.memory_space<vmem>>) dst(%dma_wait3A : memref<499712xf32, #tpu.memory_space<hbm>>)
        tpu.yield
      }) : () -> ()
      %mul3A_85 = arith.constant 8 : i32
      %mul3A_86 = arith.muli %scan3A_4, %mul3A_85 : i32
      %add3A_87 = arith.constant 1 : i32
      %add3A_88 = arith.addi %mul3A_86, %add3A_87 : i32
      %mul3A_89 = arith.constant 999424 : i32
      %mul3A_90 = arith.muli %add3A_88, %mul3A_89 : i32
      %add3A_91 = arith.constant 499712 : i32
      %add3A_92 = arith.addi %mul3A_90, %add3A_91 : i32
      %run_scoped3A_93 = arith.constant 1 : i32
      "tpu.region"() ({
        %run_scoped3A_148 = tpu.sem_alloc : memref<!tpu.dma_semaphore, #tpu.memory_space<semaphore_mem>>
        %dma_start3A = tpu.memref_slice %arg1[%add3A_92] : memref<31981568xf32, #tpu.memory_space<hbm>> -> memref<499712xf32, #tpu.memory_space<hbm>>
        %dma_start3A_149 = arith.constant 0 : i32
        %dma_start3A_150 = tpu.memref_slice %arg2[%run_scoped3A_93, %dma_start3A_149] : memref<8x499712xf32, #tpu.memory_space<vmem>> -> memref<1x499712xf32, #tpu.memory_space<vmem>>
        %dma_start3A_151 = tpu.memref_squeeze %dma_start3A_150 : memref<1x499712xf32, #tpu.memory_space<vmem>> -> memref<499712xf32, #tpu.memory_space<vmem>>
        tpu.enqueue_dma source(%dma_start3A_151 : memref<499712xf32, #tpu.memory_space<vmem>>) target(%dma_start3A : memref<499712xf32, #tpu.memory_space<hbm>>) target_semaphore(%run_scoped3A_148 : memref<!tpu.dma_semaphore, #tpu.memory_space<semaphore_mem>>)
        %dma_wait3A = tpu.memref_slice %arg1[%add3A_92] : memref<31981568xf32, #tpu.memory_space<hbm>> -> memref<499712xf32, #tpu.memory_space<hbm>>
        %dma_wait3A_152 = arith.constant 0 : i32
        %dma_wait3A_153 = tpu.memref_slice %arg2[%run_scoped3A_93, %dma_wait3A_152] : memref<8x499712xf32, #tpu.memory_space<vmem>> -> memref<1x499712xf32, #tpu.memory_space<vmem>>
        %dma_wait3A_154 = tpu.memref_squeeze %dma_wait3A_153 : memref<1x499712xf32, #tpu.memory_space<vmem>> -> memref<499712xf32, #tpu.memory_space<vmem>>
        tpu.wait_dma2 semaphore(%run_scoped3A_148 : memref<!tpu.dma_semaphore, #tpu.memory_space<semaphore_mem>>) src(%dma_wait3A_154 : memref<499712xf32, #tpu.memory_space<vmem>>) dst(%dma_wait3A : memref<499712xf32, #tpu.memory_space<hbm>>)
        tpu.yield
      }) : () -> ()
      %mul3A_94 = arith.constant 8 : i32
      %mul3A_95 = arith.muli %scan3A_4, %mul3A_94 : i32
      %add3A_96 = arith.constant 2 : i32
      %add3A_97 = arith.addi %mul3A_95, %add3A_96 : i32
      %mul3A_98 = arith.constant 999424 : i32
      %mul3A_99 = arith.muli %add3A_97, %mul3A_98 : i32
      %add3A_100 = arith.constant 499712 : i32
      %add3A_101 = arith.addi %mul3A_99, %add3A_100 : i32
      %run_scoped3A_102 = arith.constant 2 : i32
      "tpu.region"() ({
        %run_scoped3A_148 = tpu.sem_alloc : memref<!tpu.dma_semaphore, #tpu.memory_space<semaphore_mem>>
        %dma_start3A = tpu.memref_slice %arg1[%add3A_101] : memref<31981568xf32, #tpu.memory_space<hbm>> -> memref<499712xf32, #tpu.memory_space<hbm>>
        %dma_start3A_149 = arith.constant 0 : i32
        %dma_start3A_150 = tpu.memref_slice %arg2[%run_scoped3A_102, %dma_start3A_149] : memref<8x499712xf32, #tpu.memory_space<vmem>> -> memref<1x499712xf32, #tpu.memory_space<vmem>>
        %dma_start3A_151 = tpu.memref_squeeze %dma_start3A_150 : memref<1x499712xf32, #tpu.memory_space<vmem>> -> memref<499712xf32, #tpu.memory_space<vmem>>
        tpu.enqueue_dma source(%dma_start3A_151 : memref<499712xf32, #tpu.memory_space<vmem>>) target(%dma_start3A : memref<499712xf32, #tpu.memory_space<hbm>>) target_semaphore(%run_scoped3A_148 : memref<!tpu.dma_semaphore, #tpu.memory_space<semaphore_mem>>)
        %dma_wait3A = tpu.memref_slice %arg1[%add3A_101] : memref<31981568xf32, #tpu.memory_space<hbm>> -> memref<499712xf32, #tpu.memory_space<hbm>>
        %dma_wait3A_152 = arith.constant 0 : i32
        %dma_wait3A_153 = tpu.memref_slice %arg2[%run_scoped3A_102, %dma_wait3A_152] : memref<8x499712xf32, #tpu.memory_space<vmem>> -> memref<1x499712xf32, #tpu.memory_space<vmem>>
        %dma_wait3A_154 = tpu.memref_squeeze %dma_wait3A_153 : memref<1x499712xf32, #tpu.memory_space<vmem>> -> memref<499712xf32, #tpu.memory_space<vmem>>
        tpu.wait_dma2 semaphore(%run_scoped3A_148 : memref<!tpu.dma_semaphore, #tpu.memory_space<semaphore_mem>>) src(%dma_wait3A_154 : memref<499712xf32, #tpu.memory_space<vmem>>) dst(%dma_wait3A : memref<499712xf32, #tpu.memory_space<hbm>>)
        tpu.yield
      }) : () -> ()
      %mul3A_103 = arith.constant 8 : i32
      %mul3A_104 = arith.muli %scan3A_4, %mul3A_103 : i32
      %add3A_105 = arith.constant 3 : i32
      %add3A_106 = arith.addi %mul3A_104, %add3A_105 : i32
      %mul3A_107 = arith.constant 999424 : i32
      %mul3A_108 = arith.muli %add3A_106, %mul3A_107 : i32
      %add3A_109 = arith.constant 499712 : i32
      %add3A_110 = arith.addi %mul3A_108, %add3A_109 : i32
      %run_scoped3A_111 = arith.constant 3 : i32
      "tpu.region"() ({
        %run_scoped3A_148 = tpu.sem_alloc : memref<!tpu.dma_semaphore, #tpu.memory_space<semaphore_mem>>
        %dma_start3A = tpu.memref_slice %arg1[%add3A_110] : memref<31981568xf32, #tpu.memory_space<hbm>> -> memref<499712xf32, #tpu.memory_space<hbm>>
        %dma_start3A_149 = arith.constant 0 : i32
        %dma_start3A_150 = tpu.memref_slice %arg2[%run_scoped3A_111, %dma_start3A_149] : memref<8x499712xf32, #tpu.memory_space<vmem>> -> memref<1x499712xf32, #tpu.memory_space<vmem>>
        %dma_start3A_151 = tpu.memref_squeeze %dma_start3A_150 : memref<1x499712xf32, #tpu.memory_space<vmem>> -> memref<499712xf32, #tpu.memory_space<vmem>>
        tpu.enqueue_dma source(%dma_start3A_151 : memref<499712xf32, #tpu.memory_space<vmem>>) target(%dma_start3A : memref<499712xf32, #tpu.memory_space<hbm>>) target_semaphore(%run_scoped3A_148 : memref<!tpu.dma_semaphore, #tpu.memory_space<semaphore_mem>>)
        %dma_wait3A = tpu.memref_slice %arg1[%add3A_110] : memref<31981568xf32, #tpu.memory_space<hbm>> -> memref<499712xf32, #tpu.memory_space<hbm>>
        %dma_wait3A_152 = arith.constant 0 : i32
        %dma_wait3A_153 = tpu.memref_slice %arg2[%run_scoped3A_111, %dma_wait3A_152] : memref<8x499712xf32, #tpu.memory_space<vmem>> -> memref<1x499712xf32, #tpu.memory_space<vmem>>
        %dma_wait3A_154 = tpu.memref_squeeze %dma_wait3A_153 : memref<1x499712xf32, #tpu.memory_space<vmem>> -> memref<499712xf32, #tpu.memory_space<vmem>>
        tpu.wait_dma2 semaphore(%run_scoped3A_148 : memref<!tpu.dma_semaphore, #tpu.memory_space<semaphore_mem>>) src(%dma_wait3A_154 : memref<499712xf32, #tpu.memory_space<vmem>>) dst(%dma_wait3A : memref<499712xf32, #tpu.memory_space<hbm>>)
        tpu.yield
      }) : () -> ()
      %mul3A_112 = arith.constant 8 : i32
      %mul3A_113 = arith.muli %scan3A_4, %mul3A_112 : i32
      %add3A_114 = arith.constant 4 : i32
      %add3A_115 = arith.addi %mul3A_113, %add3A_114 : i32
      %mul3A_116 = arith.constant 999424 : i32
      %mul3A_117 = arith.muli %add3A_115, %mul3A_116 : i32
      %add3A_118 = arith.constant 499712 : i32
      %add3A_119 = arith.addi %mul3A_117, %add3A_118 : i32
      %run_scoped3A_120 = arith.constant 4 : i32
      "tpu.region"() ({
        %run_scoped3A_148 = tpu.sem_alloc : memref<!tpu.dma_semaphore, #tpu.memory_space<semaphore_mem>>
        %dma_start3A = tpu.memref_slice %arg1[%add3A_119] : memref<31981568xf32, #tpu.memory_space<hbm>> -> memref<499712xf32, #tpu.memory_space<hbm>>
        %dma_start3A_149 = arith.constant 0 : i32
        %dma_start3A_150 = tpu.memref_slice %arg2[%run_scoped3A_120, %dma_start3A_149] : memref<8x499712xf32, #tpu.memory_space<vmem>> -> memref<1x499712xf32, #tpu.memory_space<vmem>>
        %dma_start3A_151 = tpu.memref_squeeze %dma_start3A_150 : memref<1x499712xf32, #tpu.memory_space<vmem>> -> memref<499712xf32, #tpu.memory_space<vmem>>
        tpu.enqueue_dma source(%dma_start3A_151 : memref<499712xf32, #tpu.memory_space<vmem>>) target(%dma_start3A : memref<499712xf32, #tpu.memory_space<hbm>>) target_semaphore(%run_scoped3A_148 : memref<!tpu.dma_semaphore, #tpu.memory_space<semaphore_mem>>)
        %dma_wait3A = tpu.memref_slice %arg1[%add3A_119] : memref<31981568xf32, #tpu.memory_space<hbm>> -> memref<499712xf32, #tpu.memory_space<hbm>>
        %dma_wait3A_152 = arith.constant 0 : i32
        %dma_wait3A_153 = tpu.memref_slice %arg2[%run_scoped3A_120, %dma_wait3A_152] : memref<8x499712xf32, #tpu.memory_space<vmem>> -> memref<1x499712xf32, #tpu.memory_space<vmem>>
        %dma_wait3A_154 = tpu.memref_squeeze %dma_wait3A_153 : memref<1x499712xf32, #tpu.memory_space<vmem>> -> memref<499712xf32, #tpu.memory_space<vmem>>
        tpu.wait_dma2 semaphore(%run_scoped3A_148 : memref<!tpu.dma_semaphore, #tpu.memory_space<semaphore_mem>>) src(%dma_wait3A_154 : memref<499712xf32, #tpu.memory_space<vmem>>) dst(%dma_wait3A : memref<499712xf32, #tpu.memory_space<hbm>>)
        tpu.yield
      }) : () -> ()
      %mul3A_121 = arith.constant 8 : i32
      %mul3A_122 = arith.muli %scan3A_4, %mul3A_121 : i32
      %add3A_123 = arith.constant 5 : i32
      %add3A_124 = arith.addi %mul3A_122, %add3A_123 : i32
      %mul3A_125 = arith.constant 999424 : i32
      %mul3A_126 = arith.muli %add3A_124, %mul3A_125 : i32
      %add3A_127 = arith.constant 499712 : i32
      %add3A_128 = arith.addi %mul3A_126, %add3A_127 : i32
      %run_scoped3A_129 = arith.constant 5 : i32
      "tpu.region"() ({
        %run_scoped3A_148 = tpu.sem_alloc : memref<!tpu.dma_semaphore, #tpu.memory_space<semaphore_mem>>
        %dma_start3A = tpu.memref_slice %arg1[%add3A_128] : memref<31981568xf32, #tpu.memory_space<hbm>> -> memref<499712xf32, #tpu.memory_space<hbm>>
        %dma_start3A_149 = arith.constant 0 : i32
        %dma_start3A_150 = tpu.memref_slice %arg2[%run_scoped3A_129, %dma_start3A_149] : memref<8x499712xf32, #tpu.memory_space<vmem>> -> memref<1x499712xf32, #tpu.memory_space<vmem>>
        %dma_start3A_151 = tpu.memref_squeeze %dma_start3A_150 : memref<1x499712xf32, #tpu.memory_space<vmem>> -> memref<499712xf32, #tpu.memory_space<vmem>>
        tpu.enqueue_dma source(%dma_start3A_151 : memref<499712xf32, #tpu.memory_space<vmem>>) target(%dma_start3A : memref<499712xf32, #tpu.memory_space<hbm>>) target_semaphore(%run_scoped3A_148 : memref<!tpu.dma_semaphore, #tpu.memory_space<semaphore_mem>>)
        %dma_wait3A = tpu.memref_slice %arg1[%add3A_128] : memref<31981568xf32, #tpu.memory_space<hbm>> -> memref<499712xf32, #tpu.memory_space<hbm>>
        %dma_wait3A_152 = arith.constant 0 : i32
        %dma_wait3A_153 = tpu.memref_slice %arg2[%run_scoped3A_129, %dma_wait3A_152] : memref<8x499712xf32, #tpu.memory_space<vmem>> -> memref<1x499712xf32, #tpu.memory_space<vmem>>
        %dma_wait3A_154 = tpu.memref_squeeze %dma_wait3A_153 : memref<1x499712xf32, #tpu.memory_space<vmem>> -> memref<499712xf32, #tpu.memory_space<vmem>>
        tpu.wait_dma2 semaphore(%run_scoped3A_148 : memref<!tpu.dma_semaphore, #tpu.memory_space<semaphore_mem>>) src(%dma_wait3A_154 : memref<499712xf32, #tpu.memory_space<vmem>>) dst(%dma_wait3A : memref<499712xf32, #tpu.memory_space<hbm>>)
        tpu.yield
      }) : () -> ()
      %mul3A_130 = arith.constant 8 : i32
      %mul3A_131 = arith.muli %scan3A_4, %mul3A_130 : i32
      %add3A_132 = arith.constant 6 : i32
      %add3A_133 = arith.addi %mul3A_131, %add3A_132 : i32
      %mul3A_134 = arith.constant 999424 : i32
      %mul3A_135 = arith.muli %add3A_133, %mul3A_134 : i32
      %add3A_136 = arith.constant 499712 : i32
      %add3A_137 = arith.addi %mul3A_135, %add3A_136 : i32
      %run_scoped3A_138 = arith.constant 6 : i32
      "tpu.region"() ({
        %run_scoped3A_148 = tpu.sem_alloc : memref<!tpu.dma_semaphore, #tpu.memory_space<semaphore_mem>>
        %dma_start3A = tpu.memref_slice %arg1[%add3A_137] : memref<31981568xf32, #tpu.memory_space<hbm>> -> memref<499712xf32, #tpu.memory_space<hbm>>
        %dma_start3A_149 = arith.constant 0 : i32
        %dma_start3A_150 = tpu.memref_slice %arg2[%run_scoped3A_138, %dma_start3A_149] : memref<8x499712xf32, #tpu.memory_space<vmem>> -> memref<1x499712xf32, #tpu.memory_space<vmem>>
        %dma_start3A_151 = tpu.memref_squeeze %dma_start3A_150 : memref<1x499712xf32, #tpu.memory_space<vmem>> -> memref<499712xf32, #tpu.memory_space<vmem>>
        tpu.enqueue_dma source(%dma_start3A_151 : memref<499712xf32, #tpu.memory_space<vmem>>) target(%dma_start3A : memref<499712xf32, #tpu.memory_space<hbm>>) target_semaphore(%run_scoped3A_148 : memref<!tpu.dma_semaphore, #tpu.memory_space<semaphore_mem>>)
        %dma_wait3A = tpu.memref_slice %arg1[%add3A_137] : memref<31981568xf32, #tpu.memory_space<hbm>> -> memref<499712xf32, #tpu.memory_space<hbm>>
        %dma_wait3A_152 = arith.constant 0 : i32
        %dma_wait3A_153 = tpu.memref_slice %arg2[%run_scoped3A_138, %dma_wait3A_152] : memref<8x499712xf32, #tpu.memory_space<vmem>> -> memref<1x499712xf32, #tpu.memory_space<vmem>>
        %dma_wait3A_154 = tpu.memref_squeeze %dma_wait3A_153 : memref<1x499712xf32, #tpu.memory_space<vmem>> -> memref<499712xf32, #tpu.memory_space<vmem>>
        tpu.wait_dma2 semaphore(%run_scoped3A_148 : memref<!tpu.dma_semaphore, #tpu.memory_space<semaphore_mem>>) src(%dma_wait3A_154 : memref<499712xf32, #tpu.memory_space<vmem>>) dst(%dma_wait3A : memref<499712xf32, #tpu.memory_space<hbm>>)
        tpu.yield
      }) : () -> ()
      %mul3A_139 = arith.constant 8 : i32
      %mul3A_140 = arith.muli %scan3A_4, %mul3A_139 : i32
      %add3A_141 = arith.constant 7 : i32
      %add3A_142 = arith.addi %mul3A_140, %add3A_141 : i32
      %mul3A_143 = arith.constant 999424 : i32
      %mul3A_144 = arith.muli %add3A_142, %mul3A_143 : i32
      %add3A_145 = arith.constant 499712 : i32
      %add3A_146 = arith.addi %mul3A_144, %add3A_145 : i32
      %run_scoped3A_147 = arith.constant 7 : i32
      "tpu.region"() ({
        %run_scoped3A_148 = tpu.sem_alloc : memref<!tpu.dma_semaphore, #tpu.memory_space<semaphore_mem>>
        %dma_start3A = tpu.memref_slice %arg1[%add3A_146] : memref<31981568xf32, #tpu.memory_space<hbm>> -> memref<499712xf32, #tpu.memory_space<hbm>>
        %dma_start3A_149 = arith.constant 0 : i32
        %dma_start3A_150 = tpu.memref_slice %arg2[%run_scoped3A_147, %dma_start3A_149] : memref<8x499712xf32, #tpu.memory_space<vmem>> -> memref<1x499712xf32, #tpu.memory_space<vmem>>
        %dma_start3A_151 = tpu.memref_squeeze %dma_start3A_150 : memref<1x499712xf32, #tpu.memory_space<vmem>> -> memref<499712xf32, #tpu.memory_space<vmem>>
        tpu.enqueue_dma source(%dma_start3A_151 : memref<499712xf32, #tpu.memory_space<vmem>>) target(%dma_start3A : memref<499712xf32, #tpu.memory_space<hbm>>) target_semaphore(%run_scoped3A_148 : memref<!tpu.dma_semaphore, #tpu.memory_space<semaphore_mem>>)
        %dma_wait3A = tpu.memref_slice %arg1[%add3A_146] : memref<31981568xf32, #tpu.memory_space<hbm>> -> memref<499712xf32, #tpu.memory_space<hbm>>
        %dma_wait3A_152 = arith.constant 0 : i32
        %dma_wait3A_153 = tpu.memref_slice %arg2[%run_scoped3A_147, %dma_wait3A_152] : memref<8x499712xf32, #tpu.memory_space<vmem>> -> memref<1x499712xf32, #tpu.memory_space<vmem>>
        %dma_wait3A_154 = tpu.memref_squeeze %dma_wait3A_153 : memref<1x499712xf32, #tpu.memory_space<vmem>> -> memref<499712xf32, #tpu.memory_space<vmem>>
        tpu.wait_dma2 semaphore(%run_scoped3A_148 : memref<!tpu.dma_semaphore, #tpu.memory_space<semaphore_mem>>) src(%dma_wait3A_154 : memref<499712xf32, #tpu.memory_space<vmem>>) dst(%dma_wait3A : memref<499712xf32, #tpu.memory_space<hbm>>)
        tpu.yield
      }) : () -> ()
    }
    %scan3A_3 = arith.constant 4 : i32
    return
  }
}

</mosaic_0001>

<sc_bundles>
// kernel: kernel.4.cloned.1.call-start
scs
__scs_entry_jumppad:
0x0: {  	(pc) =	sbr.rel $0x88, $3  }
0x1: {  	(tag) =	ssettag $0x0;
	lr =	simm.s32 $0x1  }
0x2: {  	[smem:$0x3F9F] =	sst lr;
	_ =	strace $0xD0000000  }
0x3: {  	_ = 	snop  }
0x4: {  	_ = 	snop  }
0x5: {  	_ = 	snop  }
0x6: {  	_ = 	snop  }
0x7: {  	_ = 	snop  }
__scs_overlays_trampoline_lowered:
0x8: {  	[smem:$0x3FAE] =	sst s0  }
0x9: {  	[smem:$0x3FAF] =	sst s1  }
0xa: {  	[smem:$0x3FB0] =	sst s2  }
0xb: {  	[smem:$0x3FB1] =	sst s3  }
0xc: {  	[smem:$0x3FB2] =	sst s4  }
0xd: {  	[smem:$0x3FB3] =	sst s5  }
0xe: {  	[smem:$0x3FB4] =	sst s6  }
0xf: {  	[smem:$0x3FB5] =	sst s7  }
0x10: {  	[smem:$0x3FB6] =	sst s8  }
0x11: {  	[smem:$0x3FB7] =	sst s9;
	s0 =	simm.s32 @!p0 $0x0  }
0x12: {  	s1 =	sld [smem:$0x3F9D];
	s0 =	simm.s32 @p0 $0x1  }
0x13: {  	[smem:$0x3FB8] =	sst s0;
	s0 =	simm.s32 @!p1 $0x0  }
0x14: {  	s2 =	sld [smem:$0x3F9C];
	s0 =	simm.s32 @p1 $0x1  }
0x15: {  	[smem:$0x3FB9] =	sst s0;
	s0 =	simm.s32 @!p2 $0x0  }
0x16: {  	s3 =	sld [smem:$0x3FDB];
	s0 =	simm.s32 @p2 $0x1  }
0x17: {  	s4 =	simm.s32 $0x1BF5;
	[smem:$0x3FBB] =	sst s0  }
0x18: {  	s0 =	sld [smem:$0x3F9E];
	_ =	swait.ge [sflag:s4], $0x0  }
0x19: {  	s7 =	sld [smem:$0x3F9F]  }
0x1a: {  	s8 =	sadd.s32 $0xFFFFE003, lr  }
0x1b: {  	s9 =	sadd.s32 $0xFFFFFEF7, lr;
	s5 =	simm.s32 $0xFFFFFFFF;
	p2 =	slt.u32 s8, $0xFFFFF086  }
0x1c: {  	p1 =	slt.u32 s9, $0xF7A;
	s5 =	simm.s32 @!p2 $0x0  }
0x1d: {  	s5 =	simm.s32 @p1 $0x1;
	p0 =	seq.s32 s7, s2  }
0x1e: {  	s7 =	smul.u32 @!p0 $0xF7A, s2;
	p2 =	seq.s32 @!p0 s5, $0x0  }
0x1f: {  	s9 =	smul.u32 $0xF7A, s1;
	s8 =	simm.s32 @!p0 $0x1BF5;
	p2 =	por !p2, p0  }
0x20: {  	[sflag:s8] =	ssyncset.s32 @!p0 $0xFFFFF086;
	s6 =	sadd.s32 @!p0 s3, s7;
	s7 =	simm.s32 @!p0 $0x108  }
0x21: {  	s3 =	sadd.s32 s3, s9;
	s6 =	sadd.s32 @!p0 $0x88, s6;
	s7 =	simm.s32 @p2 $0x1082  }
0x22: {  	[simem:s7], [sflag:s8] =	dma.local @!p0 [hbm:s6], $0xF7A  }
0x23: {  	s9 =	sor.u32 $0xD0000000, s2;
	s6 =	simm.s32 $0x108;
	_ =	swait.ge @!p0 [sflag:s8], $0x0  }
0x24: {  	s3 =	sadd.s32 $0x88, s3;
	s6 =	simm.s32 @!p1 $0x1082;
	[sflag:s4] =	ssyncset.s32 $0xFFFFF086  }
0x25: {  	[simem:s6], [sflag:s4] =	dma.local [hbm:s3], $0xF7A  }
0x26: {  	[smem:$0x3F9F] =	sst s1;
	(tag) =	ssettag s2;
	_ =	strace s9  }
0x27: {  	s1 =	sld [smem:$0x3FAF]  }
0x28: {  	s2 =	sld [smem:$0x3FB0]  }
0x29: {  	s4 =	sld [smem:$0x3FB2]  }
0x2a: {  	p0 =	seq.s32 s5, $0x0;
	s5 =	sld [smem:$0x3FB3]  }
0x2b: {  	s6 =	sld [smem:$0x3FB4]  }
0x2c: {  	s7 =	sld [smem:$0x3FB5]  }
0x2d: {  	s3 =	simm.s32 $0x108;
	s8 =	sld [smem:$0x3FB6]  }
0x2e: {  	s3 =	simm.s32 @!p0 $0x1082;
	s9 =	sld [smem:$0x3FB7]  }
0x2f: {  	lr =	sadd.s32 s0, s3;
	s0 =	sld [smem:$0x3FAE]  }
0x30: {  	s3 =	sld [smem:$0x3FB1]  }
0x31: {  	[smem:$0x3FBA] =	sst s10  }
0x32: {  	s10 =	sld [smem:$0x3FB8];
	_ =	sdelay $0x3  }
0x33: {  	p0 =	seq.s32 s10, $0x1;
	s10 =	sld [smem:$0x3FBA];
	_ =	sdelay $0x3  }
0x34: {  	[smem:$0x3FBA] =	sst s10  }
0x35: {  	s10 =	sld [smem:$0x3FB9];
	_ =	sdelay $0x3  }
0x36: {  	p1 =	seq.s32 s10, $0x1;
	s10 =	sld [smem:$0x3FBA];
	_ =	sdelay $0x3  }
0x37: {  	[smem:$0x3FBA] =	sst s10  }
0x38: {  	s10 =	sld [smem:$0x3FBB]  }
0x39: {  	_ = 	snop;
	(pc) =	sbr.ind lr, $3  }
0x3a: {  	_ = 	snop  }
0x3b: {  	_ = 	snop  }
0x3c: {  	p2 =	seq.s32 s10, $0x1;
	s10 =	sld [smem:$0x3FBA]  }
0x3d: {  	_ =	shalt  }
0x3e: {  	_ =	shalt  }
0x3f: {  	_ =	shalt  }
0x40: {  	_ =	shalt  }
0x41: {  	_ =	shalt  }
0x42: {  	_ =	shalt  }
0x43: {  	_ =	shalt  }
0x44: {  	_ =	shalt  }
0x45: {  	_ =	shalt  }
0x46: {  	_ =	shalt  }
0x47: {  	_ =	shalt  }
0x48: {  	_ =	shalt  }
0x49: {  	_ =	shalt  }
0x4a: {  	_ =	shalt  }
0x4b: {  	_ =	shalt  }
0x4c: {  	_ =	shalt  }
0x4d: {  	_ =	shalt  }
0x4e: {  	_ =	shalt  }
0x4f: {  	_ =	shalt  }
0x50: {  	_ =	shalt  }
0x51: {  	_ =	shalt  }
0x52: {  	_ =	shalt  }
0x53: {  	_ =	shalt  }
0x54: {  	_ =	shalt  }
0x55: {  	_ =	shalt  }
0x56: {  	_ =	shalt  }
0x57: {  	_ =	shalt  }
0x58: {  	_ =	shalt  }
0x59: {  	_ =	shalt  }
0x5a: {  	_ =	shalt  }
0x5b: {  	_ =	shalt  }
0x5c: {  	_ =	shalt  }
0x5d: {  	_ =	shalt  }
0x5e: {  	_ =	shalt  }
0x5f: {  	_ =	shalt  }
0x60: {  	_ =	shalt  }
0x61: {  	_ =	shalt  }
0x62: {  	_ =	shalt  }
0x63: {  	_ =	shalt  }
0x64: {  	_ =	shalt  }
0x65: {  	_ =	shalt  }
0x66: {  	_ =	shalt  }
0x67: {  	_ =	shalt  }
0x68: {  	_ =	shalt  }
0x69: {  	_ =	shalt  }
0x6a: {  	_ =	shalt  }
0x6b: {  	_ =	shalt  }
0x6c: {  	_ =	shalt  }
0x6d: {  	_ =	shalt  }
0x6e: {  	_ =	shalt  }
0x6f: {  	_ =	shalt  }
0x70: {  	_ =	shalt  }
0x71: {  	_ =	shalt  }
0x72: {  	_ =	shalt  }
0x73: {  	_ =	shalt  }
0x74: {  	_ =	shalt  }
0x75: {  	_ =	shalt  }
0x76: {  	_ =	shalt  }
0x77: {  	_ =	shalt  }
0x78: {  	_ =	shalt  }
0x79: {  	_ =	shalt  }
0x7a: {  	_ =	shalt  }
0x7b: {  	_ =	shalt  }
0x7c: {  	_ =	shalt  }
0x7d: {  	_ =	shalt  }
0x7e: {  	_ =	shalt  }
0x7f: {  	_ =	shalt  }
0x80: {  	_ =	shalt  }
0x81: {  	_ =	shalt  }
0x82: {  	_ =	shalt  }
0x83: {  	_ =	shalt  }
0x84: {  	_ =	shalt  }
0x85: {  	_ =	shalt  }
0x86: {  	_ =	shalt  }
0x87: {  	_ =	shalt  }
.Lfunc_end0:
.L_simem_size_0:
called_computation_lowered:
.L_overlay_start_0:
0x88: {  	s2 =	sld [smem:$0x3FD9]  }
0x89: {  	s3 =	sld [smem:$0x3FFE];
	_ =	sdelay $0x1  }
0x8a: {  	s1 =	srdreg.scid  }
0x8b: {  	s0 =	sand.u32 $0x1, s1  }
0x8c: {  	s17 =	sshll.u32 s0, $0xA;
	s2 =	sadd.s32 s3, s2  }
0x8d: {  	s2 =	sadd.s32 s2, s17  }
0x8e: {  	[smem:$0x3FC6] =	sst s2  }
0x8f: {  	_ = 	snop  }
0x90: {  	s2 =	sld [smem:$0x3FD0];
	(tm) =	ssettm $0x1  }
0x91: {  	s18 =	sld [smem:$0x3FFB];
	_ =	sdelay $0x3  }
0x92: {  	_ =	strace s18  }
0x93: {  	s3 =	sld [smem:$0x3FFC];
	_ =	sdelay $0x3  }
0x94: {  	_ =	strace s3  }
0x95: {  	s3 =	sld [smem:$0x3FFD];
	_ =	sdelay $0x3  }
0x96: {  	_ =	strace s3  }
0x97: {  	_ =	strace $0x8FFFFFFF  }
0x98: {  	s19 =	sld [smem:$0x3FDB];
	_ =	sdelay $0x1  }
0x99: {  	s4 =	simm.s32 $_scs_section_size  }
0x9a: {  	s5 =	simm.s32 $_size__tile_overlayer_lowered;
	s6 =	simm.s32 $_tile_overlayer_lowered  }
0x9b: {  	s22 =	simm.s32 $0x1BFF;
	s21 =	sshll.u32 s6, $0x1;
	s3 =	sadd.s32 s4, s19  }
0x9c: {  	s7 =	simm.s32 $0x0;
	s20 =	sshll.u32 s5, $0x1;
	s5 =	sadd.s32 s21, s3  }
0x9d: {  	[timem:s7], [sflag:s22] =	dma.local [hbm:s5], s20  }
0x9e: {  	_ =	swait.ge [sflag:s22], s20  }
0x9f: {  	s4 =	ssub.s32 $0x0, s20;
	[sflag:s22] =	ssyncset.done $0x0  }
0xa0: {  	[sflag:s22] =	ssyncadd.s32 s4;
	_ =	sdelay $0x1  }
0xa1: {  	s23 =	simm.s32 $0x1B8B  }
0xa2: {  	_ =	swait.ge [sflag:s23], $0x1  }
0xa3: {  	[sflag:s23] =	ssyncset.done $0x0  }
0xa4: {  	s25 =	simm.s32 $0x1B8E;
	s24 =	sld [smem:$0x3FFE];
	[sflag:s23] =	ssyncadd.s32 $0xFFFFFFFF  }
0xa5: {  	s26 =	simm.s32 $execute0_lowered;
	[smem:$0x3FD2] =	sst s25  }
0xa6: {  	s5 =	sshll.u32 s26, $0x1;
	_ =	strace $0x80000046;
	[dreg:$0x1] =	wrdreg $0xFFFFFFFF  }
0xa7: {  	s28 =	simm.s32 $_size_execute0_lowered;
	s3 =	sadd.s32 s3, s5;
	[dreg:$0x0] =	wrdreg $0x0  }
0xa8: {  	s5 =	sshll.u32 s28, $0x1;
	[dreg:$0x2] =	wrdreg s3  }
0xa9: {  	[dreg:$0x3] =	wrdreg s5  }
0xaa: {  	[dreg:$0x4] =	wrdreg $0xC0  }
0xab: {  	_ =	task [dreg:s7], $0x5FFFF  }
0xac: {  	[dreg:$0x1] =	wrdreg $0xFFFFFFFF  }
0xad: {  	[dreg:$0x0] =	wrdreg $0x60  }
0xae: {  	[dreg:$0x2] =	wrdreg s2  }
0xaf: {  	[dreg:$0x3] =	wrdreg s24  }
0xb0: {  	[dreg:$0x4] =	wrdreg $0xC8000  }
0xb1: {  	[dreg:$0x5] =	wrdreg $0x9  }
0xb2: {  	_ =	task.clear_ibuf [dreg:s7], $0x6FFFF;
	_ =	strace $0x90000046  }
0xb3: {  	s29 =	simm.s32 $0x9;
	_ =	strace $0x80000048  }
0xb4: {  	_ =	swait.ge [sflag:s29], $0x1  }
0xb5: {  	[sflag:s29] =	ssyncadd.s32 $0xFFFFFFFF  }
0xb6: {  	_ =	strace $0x90000048  }
0xb7: {  	_ =	sfence  }
0xb8: {  	s30 =	sld [smem:$0x0];
	_ =	sdelay $0x2  }
0xb9: {  	s31 =	sshll.u32 s1, $0xD;
	s1 =	sshrl.u32 s1, $0x2  }
0xba: {  	s3 =	sand.u32 $0x4000, s31;
	s1 =	sadd.s32 s1, s30  }
0xbb: {  	s0 =	sor.u32 s3, s0;
	s1 =	sshll.u32 s1, $0x11  }
0xbc: {  	s0 =	sor.u32 s1, s0  }
0xbd: {  	s0 =	sadd.s32 $0x8F2B, s0  }
0xbe: {  	[sflag:s0] =	ssyncadd.remote.s32 $0x1  }
0xbf: {  	_ =	sfence.sel $0xFFFF  }
0xc0: {  	[dreg:$0x0] =	wrdreg $0xFFFFFFFF;
	(pc) =	sbr.abs _section_cstart, $3  }
0xc1: {  	[dreg:$0x1] =	wrdreg $0xFFFFFFFF  }
0xc2: {  	_ =	task.clear_ibuf [dreg:s7], $0x2FFFF;
	_ =	strace $0x9FFFFFFF  }
0xc3: {  	(tm) =	ssettm $0x7FFFFFFF  }
tec
execute0_lowered:
.L_overlay_start_1:
0x0: {  	(tag) =	ssettag $0x1  }
0x1: {  	s0 =	rddreg [dreg:$0x0]  }
0x2: {  	s7 =	rddreg [dreg:$0x1]  }
0x3: {  	s1 =	rddreg [dreg:$0x2];
	s2 =	simm.s32 $0x0;
	s3 =	srdreg.scid  }
0x4: {  	s9 =	stileid.u32;
	s15 =	simm.s32 $0x800;
	s16 =	simm.s32 $0x1BC28  }
0x5: {  	s17 =	simm.s32 $0x1C428;
	s18 =	simm.s32 $0x1CC28;
	s19 =	simm.s32 $0x1D428  }
0x6: {  	s20 =	simm.s32 $0x1DC28;
	s21 =	simm.s32 $0x1;
	s22 =	simm.s32 $0x2  }
0x7: {  	[smem:$0x7FF] =	sst s2;
	s8 =	sand.u32 $0x1, s3;
	s26 =	smul.u32 $0xF400, s9  }
0x8: {  	s25 =	sadd.s32 $0xE00, s7;
	s4 =	sadd.s32 $0x400, s7;
	s6 =	smul.u32 $0x1900, s9  }
0x9: {  	s28 =	sadd.s32 $0x3D0E00, s7;
	s29 =	smul.u32 $0x32000, s9;
	s14 =	sadd.s32 $0xF4000, s1  }
0xa: {  	p0 =	sne.s32 s9, $0x0;
	_ =	strace $0x80000047;
	[dreg:$0x5] =	wrdreg s25  }
0xb: {  	s31 =	sshll.u32 s9, $0x6;
	s3 =	simm.s32 $0x0;
	[dreg:$0x6] =	wrdreg s4  }
0xc: {  	s10 =	ssub.s32 $0x2, s8;
	[dreg:$0x7] =	wrdreg s28;
	s8 =	sshll.u32 s8, $0x4  }
0xd: {  	s12 =	sor.u32 $0x1C03, s31;
	s14 =	sshrl.u32 @!p0 s14, $0x3;
	s11 =	sshrl.u32 s10, $0x1  }
0xe: {  	s7 =	smov.u32 s26;
	s13 =	sadd.s32 s26, s1;
	s10 =	ssub.s32 s10, s11  }
0xf: {  	[dreg:$0x4] =	wrdreg s29;
	s11 =	simm.s32 $0x3;
	s30 =	smax.u32 s10, $0x1  }
0x10: {  	s13 =	sshrl.u32 s13, $0x3;
	s10 =	sadd.s32 s6, s0;
	[dreg:$0x8] =	wrdreg s30  }
.LBB2_1:
0x11: {  	[dreg:$0x9] =	wrdreg s3;
	s0 =	sadd.s32 $0x0, s10  }
0x12: {  	[tilespmem:s2], [sflag:$0x3] =	stream.linear.gather [hbm4b:s0+s2], $0x800, $0x38;
	[tilespmem:$0x1E428] =	vst v63  }
0x13: {  	_ =	swait.ge [sflag:s11], $0x800  }
0x14: {  	s25 =	simm.s32 $0x800;
	s0 =	simm.s32 $0x100;
	[sflag:s11] =	ssyncset.done $0x0  }
.LBB2_2:
0x15: {  	s9 =	sadd.s32 s0, s10  }
0x16: {  	s24 =	simm.s32 $0x0;
	[sflag:s11] =	ssyncadd.s32 $0xFFFFF800;
	p1 =	sne.s32 s0, $0x1800  }
0x17: {  	[tilespmem:s25], [sflag:$0x3] =	stream.linear.gather [hbm4b:s9+s24], $0x800, $0x38;
	[tilespmem:$0x1E428] =	vst v63  }
.Ltmp0:
0x18: {  	_ = 	snop;
	(pc) =	sbr.rel @p1 .LBB2_2-.Ltmp0, $4  }
0x19: {  	_ = 	snop  }
0x1a: {  	s0 =	sadd.s32 $0x100, s0  }
0x1b: {  	_ =	swait.ge [sflag:s11], $0x800  }
0x1c: {  	s25 =	sadd.s32 $0x800, s25;
	[sflag:s11] =	ssyncset.done $0x0  }
0x1d: {  	[sflag:s11] =	ssyncadd.s32 $0xFFFFF800  }
.LBB2_4:
0x1e: {  	s0 =	sadd.s32 s8, s24  }
0x1f: {  	s9 =	smul.u32 $0xF4000, s0;
	_ =	sdelay $0x1  }
0x20: {  	[bflag:$0x0] =	sbarrier.arrive $0xFFFF;
	s9 =	sadd.s32 s7, s9  }
0x21: {  	s3 =	rddreg [dreg:$0x5];
	s9 =	sshrl.u32 s9, $0x3  }
0x22: {  	s9 =	sadd.s32 s3, s9  }
0x23: {  	[spmem:s13], [sflag:s12] =	dma.local [hbm:s9], $0x1E80  }
0x24: {  	s9 =	smul.u32 @!p0 $0x48, s0;
	_ =	swait.ge [sflag:s11], $0x1E80  }
0x25: {  	[sflag:s11] =	ssyncset.done $0x0;
	s3 =	rddreg [dreg:$0x6]  }
0x26: {  	[sflag:s11] =	ssyncadd.s32 $0xFFFFE180;
	s9 =	sadd.s32 @!p0 s3, s9  }
0x27: {  	[spmem:s14], [sflag:s12] =	dma.local @!p0 [hbm:s9], $0x48  }
0x28: {  	s9 =	simm.s32 @!p0 $0x3  }
0x29: {  	_ =	swait.ge @!p0 [sflag:s9], $0x48  }
0x2a: {  	[sflag:s9] =	ssyncset.done @!p0 $0x0  }
0x2b: {  	[sflag:s9] =	ssyncadd.s32 @!p0 $0xFFFFFFB8  }
0x2c: {  	s25 =	simm.s32 $0x0;
	[bflag:$0x0] =	sbarrier.arrive $0xFFFF  }
0x2d: {  	[tilespmem:s16], [sflag:$0x1] =	stream.indirect.gather [spmem:s1], $0x1, s25, s15, $0xb8;
	[tilespmem:$0x1E428] =	vst v63  }
0x2e: {  	s26 =	simm.s32 $0x800  }
0x2f: {  	[tilespmem:s17], [sflag:$0x1] =	stream.indirect.gather [spmem:s1], $0x1, s26, s15, $0xb8;
	[tilespmem:$0x1E428] =	vst v63  }
0x30: {  	s3 =	simm.s32 $0x1000  }
0x31: {  	[tilespmem:s18], [sflag:$0x1] =	stream.indirect.gather [spmem:s1], $0x1, s3, s15, $0xb8;
	[tilespmem:$0x1E428] =	vst v63  }
0x32: {  	s4 =	simm.s32 $0x1800  }
0x33: {  	[tilespmem:s19], [sflag:$0x1] =	stream.indirect.gather [spmem:s1], $0x1, s4, s15, $0xb8;
	[tilespmem:$0x1E428] =	vst v63  }
0x34: {  	s5 =	simm.s32 $0x2000  }
0x35: {  	[tilespmem:s20], [sflag:$0x1] =	stream.indirect.gather [spmem:s1], $0x1, s5, s15, $0xb8;
	[tilespmem:$0x1E428] =	vst v63  }
0x36: {  	_ =	swait.ge [sflag:s21], $0x800  }
0x37: {  	[sflag:s21] =	ssyncset.done $0x0  }
0x38: {  	[sflag:s21] =	ssyncadd.s32 $0xFFFFF800  }
0x39: {  	_ =	swait.ge [sflag:s21], $0x800  }
0x3a: {  	[sflag:s21] =	ssyncset.done $0x0  }
0x3b: {  	[sflag:s21] =	ssyncadd.s32 $0xFFFFF800  }
0x3c: {  	_ =	swait.ge [sflag:s21], $0x800  }
0x3d: {  	[sflag:s21] =	ssyncset.done $0x0  }
0x3e: {  	[sflag:s21] =	ssyncadd.s32 $0xFFFFF800  }
0x3f: {  	_ =	swait.ge [sflag:s21], $0x800  }
0x40: {  	[sflag:s21] =	ssyncset.done $0x0  }
0x41: {  	[sflag:s21] =	ssyncadd.s32 $0xFFFFF800  }
0x42: {  	s28 =	sadd.s32 $0x300, s6;
	s30 =	sand.u32 $0x700, s6;
	_ =	swait.ge [sflag:s21], $0x800  }
0x43: {  	s0 =	sshll.u32 s0, $0xB;
	s26 =	simm.s32 $0xA000;
	s23 =	rddreg [dreg:$0x4]  }
0x44: {  	s5 =	sadd.s32 $0x400, s6;
	s4 =	rddreg [dreg:$0x7];
	[sflag:s21] =	ssyncset.done $0x0  }
0x45: {  	s25 =	sadd.s32 s4, s0;
	s9 =	sadd.s32 $0x0, s23;
	[sflag:s21] =	ssyncadd.s32 $0xFFFFF800  }
0x46: {  	s0 =	sand.u32 $0x700, s5;
	s29 =	sand.u32 $0xFF0000, s9;
	s31 =	sadd.s32 $0x2000, s9  }
0x47: {  	s23 =	sadd.s32 $0x4000, s9;
	s29 =	sadd.s32 s29, s25;
	s31 =	sand.u32 $0xFF0000, s31  }
0x48: {  	s23 =	sand.u32 $0xFF0000, s23;
	s29 =	sadd.s32 s30, s29;
	s30 =	sadd.s32 $0x100, s6  }
0x49: {  	s31 =	sadd.s32 s31, s25;
	s23 =	sadd.s32 s23, s25;
	s30 =	sand.u32 $0x700, s30  }
0x4a: {  	[hbm4b:s29+s2] =	stream.linear.scatter [tilespmem:s16], [sflag:$0x2], $0x800, $0x38;
	[tilespmem:$0x1E428] =	vst v63  }
0x4b: {  	s29 =	sadd.s32 $0x200, s6;
	s30 =	sadd.s32 s30, s31;
	s31 =	sand.u32 $0x700, s28  }
0x4c: {  	s28 =	sand.u32 $0x700, s29;
	s29 =	sadd.s32 $0x6000, s9;
	s9 =	sadd.s32 $0x8000, s9  }
0x4d: {  	[hbm4b:s30+s2] =	stream.linear.scatter [tilespmem:s17], [sflag:$0x2], $0x800, $0x38;
	[tilespmem:$0x1E428] =	vst v63  }
0x4e: {  	s30 =	sadd.s32 s28, s23;
	s29 =	sand.u32 $0xFF0000, s29;
	s28 =	smov.u32 s6  }
.LBB2_5:
0x4f: {  	s23 =	sadd.s32 s29, s25;
	s9 =	sand.u32 $0xFF0000, s9  }
0x50: {  	[hbm4b:s30+s2] =	stream.linear.scatter [tilespmem:s18], [sflag:$0x2], $0x800, $0x38;
	[tilespmem:$0x1E428] =	vst v63  }
0x51: {  	s23 =	sadd.s32 s31, s23;
	s9 =	sadd.s32 s9, s25  }
0x52: {  	[hbm4b:s23+s2] =	stream.linear.scatter [tilespmem:s19], [sflag:$0x2], $0x800, $0x38;
	[tilespmem:$0x1E428] =	vst v63  }
0x53: {  	s0 =	sadd.s32 s0, s9  }
0x54: {  	[hbm4b:s0+s2] =	stream.linear.scatter [tilespmem:s20], [sflag:$0x2], $0x800, $0x38;
	[tilespmem:$0x1E428] =	vst v63  }
0x55: {  	_ =	swait.ge [sflag:s22], $0x800  }
0x56: {  	[sflag:s22] =	ssyncset.done $0x0  }
0x57: {  	[sflag:s22] =	ssyncadd.s32 $0xFFFFF800  }
0x58: {  	_ =	swait.ge [sflag:s22], $0x800  }
0x59: {  	[sflag:s22] =	ssyncset.done $0x0  }
0x5a: {  	[sflag:s22] =	ssyncadd.s32 $0xFFFFF800  }
0x5b: {  	_ =	swait.ge [sflag:s22], $0x800  }
0x5c: {  	[sflag:s22] =	ssyncset.done $0x0  }
0x5d: {  	[sflag:s22] =	ssyncadd.s32 $0xFFFFF800  }
0x5e: {  	_ =	swait.ge [sflag:s22], $0x800  }
0x5f: {  	[sflag:s22] =	ssyncset.done $0x0  }
0x60: {  	[sflag:s22] =	ssyncadd.s32 $0xFFFFF800  }
0x61: {  	_ =	swait.ge [sflag:s22], $0x800  }
0x62: {  	s29 =	smov.u32 s26;
	[sflag:s22] =	ssyncset.done $0x0  }
0x63: {  	s3 =	sshra.s32 s29, $0x2;
	[sflag:s22] =	ssyncadd.s32 $0xFFFFF800  }
0x64: {  	[tilespmem:s16], [sflag:$0x1] =	stream.indirect.gather [spmem:s1], $0x1, s3, s15, $0xb8;
	[tilespmem:$0x1E428] =	vst v63  }
0x65: {  	s4 =	sadd.s32 $0x800, s3  }
0x66: {  	[tilespmem:s17], [sflag:$0x1] =	stream.indirect.gather [spmem:s1], $0x1, s4, s15, $0xb8;
	[tilespmem:$0x1E428] =	vst v63  }
0x67: {  	s5 =	sadd.s32 $0x1000, s3  }
0x68: {  	[tilespmem:s18], [sflag:$0x1] =	stream.indirect.gather [spmem:s1], $0x1, s5, s15, $0xb8;
	[tilespmem:$0x1E428] =	vst v63  }
0x69: {  	s23 =	sadd.s32 $0x1800, s3  }
0x6a: {  	[tilespmem:s19], [sflag:$0x1] =	stream.indirect.gather [spmem:s1], $0x1, s23, s15, $0xb8;
	[tilespmem:$0x1E428] =	vst v63  }
0x6b: {  	s0 =	sadd.s32 $0x2000, s3  }
0x6c: {  	[tilespmem:s20], [sflag:$0x1] =	stream.indirect.gather [spmem:s1], $0x1, s0, s15, $0xb8;
	[tilespmem:$0x1E428] =	vst v63  }
0x6d: {  	_ =	swait.ge [sflag:s21], $0x800  }
0x6e: {  	[sflag:s21] =	ssyncset.done $0x0  }
0x6f: {  	[sflag:s21] =	ssyncadd.s32 $0xFFFFF800  }
0x70: {  	_ =	swait.ge [sflag:s21], $0x800  }
0x71: {  	[sflag:s21] =	ssyncset.done $0x0  }
0x72: {  	[sflag:s21] =	ssyncadd.s32 $0xFFFFF800  }
0x73: {  	_ =	swait.ge [sflag:s21], $0x800  }
0x74: {  	[sflag:s21] =	ssyncset.done $0x0  }
0x75: {  	[sflag:s21] =	ssyncadd.s32 $0xFFFFF800  }
0x76: {  	s28 =	sadd.s32 $0x500, s28;
	_ =	swait.ge [sflag:s21], $0x800  }
0x77: {  	p1 =	sne.s32 s26, $0x28000;
	s26 =	sadd.s32 $0xA000, s26;
	[sflag:s21] =	ssyncset.done $0x0  }
0x78: {  	s30 =	sadd.s32 $0x400, s28;
	s9 =	sand.u32 $0x700, s28;
	[sflag:s21] =	ssyncadd.s32 $0xFFFFF800  }
0x79: {  	s3 =	sadd.s32 $0x300, s28;
	s5 =	sadd.s32 $0x200, s28;
	_ =	swait.ge [sflag:s21], $0x800  }
0x7a: {  	s31 =	sand.u32 $0x700, s3;
	s23 =	sand.u32 $0x700, s5;
	s4 =	rddreg [dreg:$0x4]  }
0x7b: {  	s0 =	sand.u32 $0x700, s30;
	[sflag:s21] =	ssyncset.done $0x0;
	s3 =	sadd.s32 s29, s4  }
0x7c: {  	[sflag:s21] =	ssyncadd.s32 $0xFFFFF800;
	s29 =	sadd.s32 $0x100, s28;
	s30 =	sand.u32 $0xFF0000, s3  }
0x7d: {  	s4 =	sadd.s32 $0x2000, s3;
	s5 =	sadd.s32 $0x4000, s3;
	s29 =	sand.u32 $0x700, s29  }
0x7e: {  	s30 =	sadd.s32 s30, s25;
	s4 =	sand.u32 $0xFF0000, s4;
	s5 =	sand.u32 $0xFF0000, s5  }
.Ltmp1:
0x7f: {  	s9 =	sadd.s32 s9, s30;
	s5 =	sadd.s32 s5, s25;
	(pc) =	sbr.rel @p1 .LBB2_5-.Ltmp1, $4  }
0x80: {  	s4 =	sadd.s32 s4, s25;
	s30 =	sadd.s32 s23, s5;
	s23 =	sadd.s32 $0x6000, s3  }
0x81: {  	[hbm4b:s9+s2] =	stream.linear.scatter [tilespmem:s16], [sflag:$0x2], $0x800, $0x38;
	[tilespmem:$0x1E428] =	vst v63  }
0x82: {  	s4 =	sadd.s32 s29, s4;
	s9 =	sadd.s32 $0x8000, s3;
	s29 =	sand.u32 $0xFF0000, s23  }
0x83: {  	[hbm4b:s4+s2] =	stream.linear.scatter [tilespmem:s17], [sflag:$0x2], $0x800, $0x38;
	[tilespmem:$0x1E428] =	vst v63  }
0x84: {  	s3 =	sadd.s32 s29, s25;
	s4 =	sand.u32 $0xFF0000, s9  }
0x85: {  	[hbm4b:s30+s2] =	stream.linear.scatter [tilespmem:s18], [sflag:$0x2], $0x800, $0x38;
	[tilespmem:$0x1E428] =	vst v63  }
0x86: {  	s3 =	sadd.s32 s31, s3;
	s4 =	sadd.s32 s4, s25  }
0x87: {  	[hbm4b:s3+s2] =	stream.linear.scatter [tilespmem:s19], [sflag:$0x2], $0x800, $0x38;
	[tilespmem:$0x1E428] =	vst v63  }
0x88: {  	s0 =	sadd.s32 s0, s4  }
0x89: {  	[hbm4b:s0+s2] =	stream.linear.scatter [tilespmem:s20], [sflag:$0x2], $0x800, $0x38;
	[tilespmem:$0x1E428] =	vst v63  }
0x8a: {  	_ =	swait.ge [sflag:s22], $0x800  }
0x8b: {  	[sflag:s22] =	ssyncset.done $0x0  }
0x8c: {  	[sflag:s22] =	ssyncadd.s32 $0xFFFFF800  }
0x8d: {  	_ =	swait.ge [sflag:s22], $0x800  }
0x8e: {  	[sflag:s22] =	ssyncset.done $0x0  }
0x8f: {  	[sflag:s22] =	ssyncadd.s32 $0xFFFFF800  }
0x90: {  	_ =	swait.ge [sflag:s22], $0x800  }
0x91: {  	[sflag:s22] =	ssyncset.done $0x0  }
0x92: {  	s24 =	sadd.s32 $0x1, s24;
	[sflag:s22] =	ssyncadd.s32 $0xFFFFF800  }
0x93: {  	p1 =	sne.s32 s24, $0x10;
	_ =	swait.ge [sflag:s22], $0x800  }
.Ltmp2:
0x94: {  	[sflag:s22] =	ssyncset.done $0x0;
	(pc) =	sbr.rel @p1 .LBB2_4-.Ltmp2, $4  }
0x95: {  	[sflag:s22] =	ssyncadd.s32 $0xFFFFF800  }
0x96: {  	_ =	swait.ge [sflag:s22], $0x800  }
0x97: {  	[sflag:s22] =	ssyncset.done $0x0  }
0x98: {  	[sflag:s22] =	ssyncadd.s32 $0xFFFFF800  }
0x99: {  	s3 =	rddreg [dreg:$0x9]  }
0x9a: {  	s0 =	rddreg [dreg:$0x8];
	s3 =	sadd.s32 $0x1, s3  }
0x9b: {  	p1 =	sne.s32 s3, s0  }
.Ltmp3:
0x9c: {  	_ = 	snop;
	(pc) =	sbr.rel @p1 .LBB2_1-.Ltmp3, $1  }
0x9d: {  	_ =	sdelay $0x3  }
0x9e: {  	_ =	sfence.sel $0x180000  }
0x9f: {  	[bflag:$0x0] =	sbarrier.arrive $0xFFFF  }
0xa0: {  	_ =	strace $0x90000047  }
0xa1: {  	[bflag:$0x2] =	sbarrier.arrive $0xFFFF  }
0xa2: {  	s0 =	rddreg [dreg:$0x3]  }
0xa3: {  	s0 =	sadd.s32 @!p0 $0x100000, s0  }
0xa4: {  	[sflag:s0] =	ssyncadd.tile.s32 @!p0 $0x1;
	_ =	shalt  }
.Lfunc_end2:
_tile_overlayer_lowered:
.L_overlay_start_2:
0xa5: {  	(tag) =	ssettag $0x2  }
0xa6: {  	s0 =	rddreg [dreg:$0x0];
	s2 =	stileid.u32  }
0xa7: {  	s1 =	rddreg [dreg:$0x1];
	p0 =	sne.s32 s2, $0x0  }
0xa8: {  	s3 =	rddreg [dreg:$0x2];
	[bflag:$0x3] =	sbarrier.arrive $0xFFFF;
	s2 =	simm.s32 @!p0 $0x1C03  }
0xa9: {  	[timem:s3], [sflag:s2] =	dma.local @!p0 [hbm:s0], s1  }
0xaa: {  	s0 =	simm.s32 @!p0 $0x3  }
0xab: {  	_ =	swait.ge @!p0 [sflag:s0], s1  }
0xac: {  	s1 =	ssub.s32 @!p0 $0x0, s1;
	[sflag:s0] =	ssyncset.done @!p0 $0x0  }
0xad: {  	[sflag:s0] =	ssyncadd.s32 @!p0 s1  }
0xae: {  	[bflag:$0x3] =	sbarrier.arrive $0xFFFF  }
0xaf: {  	_ =	shalt  }

</sc_bundles>
